<compile_context>
chip_gen: v7x
topology: tpu7x:2x2x1
jax: 0.10.2.dev20260603
libtpu: 0.0.44.dev20260713+nightly
codegen_flags: <defaults>
</compile_context>

<pallas_src>
import jax
import jax.numpy as jnp
from jax import lax
from jax.experimental import pallas as pl
from jax.experimental.pallas import tpu as pltpu
from jax.experimental.pallas import tpu_sc as plsc

_N = 10000
_E = 160000
_D = 256
_DH = 128
_NT = 16
_B = 128
_NB = 80
_EP = _NT * _NB * _B
_CH = 16
_NC = _NB // _CH
_K = 2
_NP = 10240
_RPT = _NP // _NT


def _sc_agg_body(x2_hbm, src_hbm, dst_hbm, w_hbm, norm_hbm, a2_hbm,
                 src_v, dst_v, w_v, norm_v, xbuf0, xbuf1,
                 gsems, ssems, acc_sh):
    c = lax.axis_index("c")
    s = lax.axis_index("s")

    pltpu.sync_copy(norm_hbm, norm_v)

    zero16 = jnp.zeros((16,), jnp.float32)
    row0 = s * _RPT

    @plsc.parallel_loop(0, _B * (_DH // 16))
    def _zr(i):
        xbuf0[i // (_DH // 16), pl.ds((i % (_DH // 16)) * 16, 16)] = zero16

    for k in range(_RPT // _B):
        pltpu.sync_copy(xbuf0, acc_sh.at[pl.ds(row0 + k * _B, _B)])
    plsc.subcore_barrier()

    cvec = jnp.full((16,), 1, jnp.int32) * c
    xbufs = [xbuf0, xbuf1]

    def _chunk(ci, _):
        pltpu.sync_copy(src_hbm.at[s, pl.ds(ci * _CH, _CH)], src_v)
        pltpu.sync_copy(dst_hbm.at[s, pl.ds(ci * _CH, _CH)], dst_v)
        pltpu.sync_copy(w_hbm.at[s, pl.ds(ci * _CH, _CH)], w_v)

        @plsc.parallel_loop(0, _CH * (_B // 16))
        def _prep(i):
            b = i // (_B // 16)
            sl = pl.ds((i % (_B // 16)) * 16, 16)
            sv = src_v[b, sl]
            w_v[b, sl] = w_v[b, sl] * plsc.load_gather(norm_v, [sv])
            src_v[b, sl] = sv * 2 + cvec

        def _step(g, _):
            b0 = g * _K
            gd = [pltpu.async_copy(x2_hbm.at[src_v.at[b0 + j]],
                                   xbufs[j], gsems[j])
                  for j in range(_K)]
            sd = []
            for j in range(_K):
                gd[j].wait()
                b = b0 + j

                @plsc.parallel_loop(0, _B, unroll=2)
                def _erow(e, buf=xbufs[j], b=b):
                    ce = plsc.load_gather(
                        w_v, [jnp.full((16,), b, jnp.int32),
                              jnp.full((16,), e, jnp.int32)])
                    for jj in range(_DH // 16):
                        sl = pl.ds(jj * 16, 16)
                        buf[e, sl] = buf[e, sl] * ce

                sd.append(pltpu.async_copy(
                    xbufs[j], acc_sh.at[dst_v.at[b]], ssems[j], add=True))
            for d in sd:
                d.wait()
            return 0

        lax.fori_loop(0, _CH // _K, _step, 0)
        return 0

    lax.fori_loop(0, _NC, _chunk, 0)

    plsc.subcore_barrier()

    pltpu.sync_copy(acc_sh.at[pl.ds(row0, _RPT)],
                    a2_hbm.at[c, pl.ds(row0, _RPT)])


_sc_agg = pl.kernel(
    _sc_agg_body,
    out_type=jax.ShapeDtypeStruct((2, _NP, _DH), jnp.float32),
    mesh=plsc.VectorSubcoreMesh(core_axis_name="c", subcore_axis_name="s"),
    scratch_types=[
        pltpu.VMEM((_CH, _B), jnp.int32),
        pltpu.VMEM((_CH, _B), jnp.int32),
        pltpu.VMEM((_CH, _B), jnp.float32),
        pltpu.VMEM((_N,), jnp.float32),
        pltpu.VMEM((_B, _DH), jnp.float32),
        pltpu.VMEM((_B, _DH), jnp.float32),
        [pltpu.SemaphoreType.DMA] * _K,
        [pltpu.SemaphoreType.DMA] * _K,
        pltpu.VMEM_SHARED((_NP, _DH), jnp.float32),
    ],
    compiler_params=pltpu.CompilerParams(needs_layout_passes=False,
                                         use_tc_tiling_on_sc=False),
)

_R = 1000


def _dense_body(a0_ref, a1_ref, h_ref, n_ref, wzrh_ref,
                uz1_ref, ur1_ref, uh1_ref, uhh_ref, uh2_ref, czr_ref, ch_ref,
                o_ref):
    f32 = jnp.float32
    h = h_ref[...]
    nrm = n_ref[...]
    p = (jnp.dot(a0_ref[0], wzrh_ref[:_DH, :], preferred_element_type=f32)
         + jnp.dot(a1_ref[0], wzrh_ref[_DH:, :], preferred_element_type=f32))
    sc = p * nrm
    hzr = jnp.dot(h, uhh_ref[...], preferred_element_type=f32)
    zpre = (jnp.dot(sc[:, :_D], uz1_ref[...], preferred_element_type=f32)
            + hzr[:, :_D] + czr_ref[0, :_D])
    rpre = (jnp.dot(sc[:, _D:2 * _D], ur1_ref[...], preferred_element_type=f32)
            + hzr[:, _D:] + czr_ref[0, _D:])
    z = jax.nn.sigmoid(zpre)
    r = jax.nn.sigmoid(rpre)
    hpre = (jnp.dot(sc[:, 2 * _D:], uh1_ref[...], preferred_element_type=f32)
            + jnp.dot(h * r, uh2_ref[...], preferred_element_type=f32)
            + ch_ref[0, :])
    ht = jnp.tanh(hpre)
    o_ref[...] = z * h + (1.0 - z) * ht


def _dense(a2, h, norm, wzrh, uz1, ur1, uh1, uhh, uh2, czr, ch):
    grid = (_N // _R,)
    full = lambda shape: pl.BlockSpec(shape, lambda i: (0, 0))

    def qspec(qi):
        return pl.BlockSpec((1, _R, _DH), lambda i, qi=qi: (qi, i, 0))

    return pl.pallas_call(
        _dense_body,
        grid=grid,
        in_specs=[
            qspec(0), qspec(1),
            pl.BlockSpec((_R, _D), lambda i: (i, 0)),
            pl.BlockSpec((_R, 1), lambda i: (i, 0)),
            full((_D, 3 * _D)),
            full((_D, _D)),
            full((_D, _D)),
            full((_D, _D)),
            full((_D, 2 * _D)),
            full((_D, _D)),
            full((1, 2 * _D)),
            full((1, _D)),
        ],
        out_specs=pl.BlockSpec((_R, _D), lambda i: (i, 0)),
        out_shape=jax.ShapeDtypeStruct((_N, _D), jnp.float32),
    )(a2, a2, h, norm, wzrh, uz1, ur1, uh1, uhh, uh2, czr, ch)


def kernel(X, edge_index, edge_weight, H, norm, Wz, bz, Wr, br, Wh, bh,
           lin_z_w, lin_z_b, lin_r_w, lin_r_b, lin_h_w, lin_h_b):
    npad = _EP - _E
    spread = jnp.arange(npad, dtype=jnp.int32)
    src = jnp.concatenate(
        [edge_index[0].astype(jnp.int32), spread % _N]
    ).reshape(_NT, _NB, _B)
    dst = jnp.concatenate(
        [edge_index[1].astype(jnp.int32), _N + spread % (_NP - _N)]
    ).reshape(_NT, _NB, _B)
    w3 = jnp.concatenate(
        [edge_weight, jnp.zeros((npad,), jnp.float32)]).reshape(_NT, _NB, _B)
    x2 = X.reshape(2 * _N, _DH)
    norm1 = norm[:, 0]

    a2 = _sc_agg(x2, src, dst, w3, norm1)

    wzrh = jnp.concatenate([Wz, Wr, Wh], axis=1)
    uz1, uz2 = lin_z_w[:, :_D].T, lin_z_w[:, _D:].T
    ur1, ur2 = lin_r_w[:, :_D].T, lin_r_w[:, _D:].T
    uh1, uh2 = lin_h_w[:, :_D].T, lin_h_w[:, _D:].T
    uhh = jnp.concatenate([uz2, ur2], axis=1)
    czr = jnp.concatenate([bz @ uz1 + lin_z_b, br @ ur1 + lin_r_b])[None, :]
    ch = (bh @ uh1 + lin_h_b)[None, :]

    return _dense(a2, H, norm, wzrh, uz1, ur1, uh1, uhh, uh2, czr, ch)

# --- scband reference (transcript-rebuilt; emitter-appended) ---
"""Pipeline reference for scband-seastar-tgcncell-73229192396936 (READ-ONLY COPY).

The authoritative reference and input builder live on the scoring server;
editing this copy changes nothing except your own understanding.
"""

import jax, jax.numpy as jnp
import numpy as np

N = 10000
E = 160000
D_IN = 256
D_OUT = 256


def _uniform(key, shape, bound):
    return jax.random.uniform(key, shape, dtype=jnp.float32, minval=-bound, maxval=bound)


def setup_inputs(seed: int = 0) -> dict:
    key = jax.random.key(seed)
    ks = jax.random.split(key, 20)
    stdv = 1.0 / np.sqrt(D_OUT)
    lin_stdv = 1.0 / np.sqrt(2 * D_OUT)
    inp = {}
    inp['X'] = jax.random.normal(ks[0], (N, D_IN), dtype=jnp.float32)
    inp['edge_index'] = jax.random.randint(ks[1], (2, E), 0, N)
    inp['edge_weight'] = jax.random.uniform(ks[2], (E,), dtype=jnp.float32)
    inp['H'] = jax.random.normal(ks[3], (N, D_OUT), dtype=jnp.float32)
    inp['norm'] = jax.random.uniform(ks[4], (N, 1), dtype=jnp.float32)
    # GCN conv parameters (z, r, h gates)
    inp['Wz'] = _uniform(ks[5], (D_IN, D_OUT), stdv)
    inp['bz'] = _uniform(ks[6], (D_OUT,), stdv)
    inp['Wr'] = _uniform(ks[7], (D_IN, D_OUT), stdv)
    inp['br'] = _uniform(ks[8], (D_OUT,), stdv)
    inp['Wh'] = _uniform(ks[9], (D_IN, D_OUT), stdv)
    inp['bh'] = _uniform(ks[10], (D_OUT,), stdv)
    # GRU linear layers (weight [out, 2*out], bias [out]) as in nn.Linear
    inp['lin_z_w'] = _uniform(ks[11], (D_OUT, 2 * D_OUT), lin_stdv)
    inp['lin_z_b'] = _uniform(ks[12], (D_OUT,), lin_stdv)
    inp['lin_r_w'] = _uniform(ks[13], (D_OUT, 2 * D_OUT), lin_stdv)
    inp['lin_r_b'] = _uniform(ks[14], (D_OUT,), lin_stdv)
    inp['lin_h_w'] = _uniform(ks[15], (D_OUT, 2 * D_OUT), lin_stdv)
    inp['lin_h_b'] = _uniform(ks[16], (D_OUT,), lin_stdv)
    return inp


def _gcn(X, W, b, norm, edge_weight, src, dst):
    # h = X @ W; message = norm[src] * h[src] * w_e; aggregate sum by dst; scale by norm[dst]; + bias
    h = X @ W
    msg = norm[src] * h[src] * edge_weight[:, None]
    agg = jnp.zeros((X.shape[0], W.shape[1]), dtype=X.dtype).at[dst].add(msg)
    return agg * norm + b


def reference(X, edge_index, edge_weight, H, norm, Wz, bz, Wr, br, Wh, bh,
              lin_z_w, lin_z_b, lin_r_w, lin_r_b, lin_h_w, lin_h_b):
    src = edge_index[0]
    dst = edge_index[1]
    hz = _gcn(X, Wz, bz, norm, edge_weight, src, dst)
    Z = jax.nn.sigmoid(jnp.concatenate([hz, H], axis=1) @ lin_z_w.T + lin_z_b)
    hr = _gcn(X, Wr, br, norm, edge_weight, src, dst)
    R = jax.nn.sigmoid(jnp.concatenate([hr, H], axis=1) @ lin_r_w.T + lin_r_b)
    hh = _gcn(X, Wh, bh, norm, edge_weight, src, dst)
    H_tilde = jnp.tanh(jnp.concatenate([hh, H * R], axis=1) @ lin_h_w.T + lin_h_b)
    H_new = Z * H + (1.0 - Z) * H_tilde
    return H_new

if __name__ == "__main__":
    import jax
    _d = setup_inputs()
    print(jax.jit(kernel)(*tuple(_d.values())))

</pallas_src>

<mosaic_0001>
#map = affine_map<(d0, d1) -> (0, 0)>
#map1 = affine_map<(d0, d1) -> (0, 0, 0)>
#map2 = affine_map<(d0, d1) -> (0)>
module attributes {stable_mosaic.version = 14 : i64} {
  func.func @_sc_agg_body(%arg0: i32, %arg1: i32, %arg2: memref<20000x128xf32, #tpu.memory_space<hbm>>, %arg3: memref<16x80x128xi32, #tpu.memory_space<hbm>>, %arg4: memref<16x80x128xi32, #tpu.memory_space<hbm>>, %arg5: memref<16x80x128xf32, #tpu.memory_space<hbm>>, %arg6: memref<10000xf32, #tpu.memory_space<hbm>>, %arg7: memref<2x10240x128xf32, #tpu.memory_space<hbm>>, %arg8: memref<16x128xi32, #tpu.memory_space<vmem>>, %arg9: memref<16x128xi32, #tpu.memory_space<vmem>>, %arg10: memref<16x128xf32, #tpu.memory_space<vmem>>, %arg11: memref<10000xf32, #tpu.memory_space<vmem>>, %arg12: memref<128x128xf32, #tpu.memory_space<vmem>>, %arg13: memref<128x128xf32, #tpu.memory_space<vmem>>, %arg14: memref<!tpu.dma_semaphore, #tpu.memory_space<semaphore_mem>>, %arg15: memref<!tpu.dma_semaphore, #tpu.memory_space<semaphore_mem>>, %arg16: memref<!tpu.dma_semaphore, #tpu.memory_space<semaphore_mem>>, %arg17: memref<!tpu.dma_semaphore, #tpu.memory_space<semaphore_mem>>, %arg18: memref<10240x128xf32, #tpu.memory_space<vmem_shared>>) attributes {dimension_semantics = [#tpu.dimension_semantics<core_parallel>, #tpu.dimension_semantics<subcore_parallel>], iteration_bounds = array<i64: 2, 16>, scalar_prefetch = 0 : i64, scratch_operands = 11 : i64, tpu.core_type = #tpu.core_type<sc_vector_subcore>, window_params = [{transform_indices = #map}, {transform_indices = #map1}, {transform_indices = #map1}, {transform_indices = #map1}, {transform_indices = #map2}, {transform_indices = #map1}]} {
    "tpu.region"() ({
      %run_scoped3A = tpu.sem_alloc : memref<!tpu.dma_semaphore, #tpu.memory_space<semaphore_mem>>
      tpu.enqueue_dma source(%arg6 : memref<10000xf32, #tpu.memory_space<hbm>>) target(%arg11 : memref<10000xf32, #tpu.memory_space<vmem>>) target_semaphore(%run_scoped3A : memref<!tpu.dma_semaphore, #tpu.memory_space<semaphore_mem>>)
      tpu.wait_dma2 semaphore(%run_scoped3A : memref<!tpu.dma_semaphore, #tpu.memory_space<semaphore_mem>>) src(%arg6 : memref<10000xf32, #tpu.memory_space<hbm>>) dst(%arg11 : memref<10000xf32, #tpu.memory_space<vmem>>)
      tpu.yield
    }) : () -> ()
    %broadcast_in_dim3A = arith.constant 0.000000e+00 : f32
    %broadcast_in_dim3A_0 = vector.broadcast %broadcast_in_dim3A : f32 to vector<16xf32>
    %mul3A = arith.constant 640 : i32
    %mul3A_1 = arith.muli %arg1, %mul3A : i32
    %parallel_loop3A = arith.constant 0 : i32
    %parallel_loop3A_2 = arith.constant 1024 : i32
    %parallel_loop3A_3 = arith.constant 1 : i32
    scf.for %parallel_loop3A_24 = %parallel_loop3A to %parallel_loop3A_2 step %parallel_loop3A_3  : i32 {
      %parallel_loop3A_25 = arith.constant 8 : i32
      %parallel_loop3A_26 = arith.divsi %parallel_loop3A_24, %parallel_loop3A_25 : i32
      %parallel_loop3A_27 = arith.constant 0 : i32
      %parallel_loop3A_28 = arith.cmpi sgt, %parallel_loop3A_24, %parallel_loop3A_27 : i32
      %parallel_loop3A_29 = arith.extui %parallel_loop3A_28 : i1 to i32
      %parallel_loop3A_30 = arith.constant 0 : i32
      %parallel_loop3A_31 = arith.cmpi slt, %parallel_loop3A_24, %parallel_loop3A_30 : i32
      %parallel_loop3A_32 = arith.extui %parallel_loop3A_31 : i1 to i32
      %parallel_loop3A_33 = arith.subi %parallel_loop3A_29, %parallel_loop3A_32 : i32
      %parallel_loop3A_34 = arith.constant 0 : i32
      %parallel_loop3A_35 = arith.cmpi sgt, %parallel_loop3A_25, %parallel_loop3A_34 : i32
      %parallel_loop3A_36 = arith.extui %parallel_loop3A_35 : i1 to i32
      %parallel_loop3A_37 = arith.constant 0 : i32
      %parallel_loop3A_38 = arith.cmpi slt, %parallel_loop3A_25, %parallel_loop3A_37 : i32
      %parallel_loop3A_39 = arith.extui %parallel_loop3A_38 : i1 to i32
      %parallel_loop3A_40 = arith.subi %parallel_loop3A_36, %parallel_loop3A_39 : i32
      %parallel_loop3A_41 = arith.cmpi ne, %parallel_loop3A_33, %parallel_loop3A_40 : i32
      %parallel_loop3A_42 = arith.remsi %parallel_loop3A_24, %parallel_loop3A_25 : i32
      %parallel_loop3A_43 = arith.constant 0 : i32
      %parallel_loop3A_44 = arith.cmpi ne, %parallel_loop3A_42, %parallel_loop3A_43 : i32
      %parallel_loop3A_45 = arith.andi %parallel_loop3A_41, %parallel_loop3A_44 : i1
      %parallel_loop3A_46 = arith.constant 1 : i32
      %parallel_loop3A_47 = arith.subi %parallel_loop3A_26, %parallel_loop3A_46 : i32
      %parallel_loop3A_48 = arith.select %parallel_loop3A_45, %parallel_loop3A_47, %parallel_loop3A_26 : i32
      %parallel_loop3A_49 = arith.constant 8 : i32
      %parallel_loop3A_50 = arith.constant 0 : i32
      %parallel_loop3A_51 = arith.cmpi eq, %parallel_loop3A_49, %parallel_loop3A_50 : i32
      %parallel_loop3A_52 = arith.constant 1 : i32
      %parallel_loop3A_53 = arith.select %parallel_loop3A_51, %parallel_loop3A_52, %parallel_loop3A_49 : i32
      %parallel_loop3A_54 = arith.remsi %parallel_loop3A_24, %parallel_loop3A_53 : i32
      %parallel_loop3A_55 = arith.constant 0 : i32
      %parallel_loop3A_56 = arith.cmpi ne, %parallel_loop3A_54, %parallel_loop3A_55 : i32
      %parallel_loop3A_57 = arith.constant 0 : i32
      %parallel_loop3A_58 = arith.cmpi slt, %parallel_loop3A_54, %parallel_loop3A_57 : i32
      %parallel_loop3A_59 = arith.constant 0 : i32
      %parallel_loop3A_60 = arith.cmpi slt, %parallel_loop3A_53, %parallel_loop3A_59 : i32
      %parallel_loop3A_61 = arith.xori %parallel_loop3A_58, %parallel_loop3A_60 : i1
      %parallel_loop3A_62 = arith.andi %parallel_loop3A_61, %parallel_loop3A_56 : i1
      %parallel_loop3A_63 = arith.addi %parallel_loop3A_54, %parallel_loop3A_53 : i32
      %parallel_loop3A_64 = arith.select %parallel_loop3A_62, %parallel_loop3A_63, %parallel_loop3A_54 : i32
      %parallel_loop3A_65 = arith.constant 16 : i32
      %parallel_loop3A_66 = arith.muli %parallel_loop3A_64, %parallel_loop3A_65 : i32
      %parallel_loop3A_67 = arith.index_cast %parallel_loop3A_48 : i32 to index
      %parallel_loop3A_68 = arith.index_cast %parallel_loop3A_66 : i32 to index
      %parallel_loop3A_69 = tpu.vector_load %arg12[%parallel_loop3A_67, %parallel_loop3A_68] {strides = array<i32>} : memref<128x128xf32, #tpu.memory_space<vmem>>, vector<16xf32>,
      tpu.vector_store %arg12[%parallel_loop3A_67, %parallel_loop3A_68], %broadcast_in_dim3A_0 {strides = array<i32>} : memref<128x128xf32, #tpu.memory_space<vmem>>, vector<16xf32>,
    } {sc.loop_unroll_factor = 1 : i64, sc.parallel_access}
    %add3A = arith.constant 0 : i32
    %add3A_4 = arith.addi %mul3A_1, %add3A : i32
    "tpu.region"() ({
      %run_scoped3A = tpu.sem_alloc : memref<!tpu.dma_semaphore, #tpu.memory_space<semaphore_mem>>
      %dma_start3A = arith.constant 0 : i32
      %dma_start3A_24 = tpu.memref_slice %arg18[%add3A_4, %dma_start3A] : memref<10240x128xf32, #tpu.memory_space<vmem_shared>> -> memref<128x128xf32, #tpu.memory_space<vmem_shared>>
      %dma_start3A_25 = arith.constant 0 : i32
      %dma_start3A_26 = tpu.memref_slice %arg18[%add3A_4, %dma_start3A_25] : memref<10240x128xf32, #tpu.memory_space<vmem_shared>> -> memref<128x128xf32, #tpu.memory_space<vmem_shared>>
      tpu.enqueue_dma source(%arg12 : memref<128x128xf32, #tpu.memory_space<vmem>>) target(%dma_start3A_26 : memref<128x128xf32, #tpu.memory_space<vmem_shared>>) target_semaphore(%run_scoped3A : memref<!tpu.dma_semaphore, #tpu.memory_space<semaphore_mem>>)
      %dma_wait3A = arith.constant 0 : i32
      %dma_wait3A_27 = tpu.memref_slice %arg18[%add3A_4, %dma_wait3A] : memref<10240x128xf32, #tpu.memory_space<vmem_shared>> -> memref<128x128xf32, #tpu.memory_space<vmem_shared>>
      %dma_wait3A_28 = arith.constant 0 : i32
      %dma_wait3A_29 = tpu.memref_slice %arg18[%add3A_4, %dma_wait3A_28] : memref<10240x128xf32, #tpu.memory_space<vmem_shared>> -> memref<128x128xf32, #tpu.memory_space<vmem_shared>>
      tpu.wait_dma2 semaphore(%run_scoped3A : memref<!tpu.dma_semaphore, #tpu.memory_space<semaphore_mem>>) src(%arg12 : memref<128x128xf32, #tpu.memory_space<vmem>>) dst(%dma_wait3A_29 : memref<128x128xf32, #tpu.memory_space<vmem_shared>>)
      tpu.yield
    }) : () -> ()
    %add3A_5 = arith.constant 128 : i32
    %add3A_6 = arith.addi %mul3A_1, %add3A_5 : i32
    "tpu.region"() ({
      %run_scoped3A = tpu.sem_alloc : memref<!tpu.dma_semaphore, #tpu.memory_space<semaphore_mem>>
      %dma_start3A = arith.constant 0 : i32
      %dma_start3A_24 = tpu.memref_slice %arg18[%add3A_6, %dma_start3A] : memref<10240x128xf32, #tpu.memory_space<vmem_shared>> -> memref<128x128xf32, #tpu.memory_space<vmem_shared>>
      %dma_start3A_25 = arith.constant 0 : i32
      %dma_start3A_26 = tpu.memref_slice %arg18[%add3A_6, %dma_start3A_25] : memref<10240x128xf32, #tpu.memory_space<vmem_shared>> -> memref<128x128xf32, #tpu.memory_space<vmem_shared>>
      tpu.enqueue_dma source(%arg12 : memref<128x128xf32, #tpu.memory_space<vmem>>) target(%dma_start3A_26 : memref<128x128xf32, #tpu.memory_space<vmem_shared>>) target_semaphore(%run_scoped3A : memref<!tpu.dma_semaphore, #tpu.memory_space<semaphore_mem>>)
      %dma_wait3A = arith.constant 0 : i32
      %dma_wait3A_27 = tpu.memref_slice %arg18[%add3A_6, %dma_wait3A] : memref<10240x128xf32, #tpu.memory_space<vmem_shared>> -> memref<128x128xf32, #tpu.memory_space<vmem_shared>>
      %dma_wait3A_28 = arith.constant 0 : i32
      %dma_wait3A_29 = tpu.memref_slice %arg18[%add3A_6, %dma_wait3A_28] : memref<10240x128xf32, #tpu.memory_space<vmem_shared>> -> memref<128x128xf32, #tpu.memory_space<vmem_shared>>
      tpu.wait_dma2 semaphore(%run_scoped3A : memref<!tpu.dma_semaphore, #tpu.memory_space<semaphore_mem>>) src(%arg12 : memref<128x128xf32, #tpu.memory_space<vmem>>) dst(%dma_wait3A_29 : memref<128x128xf32, #tpu.memory_space<vmem_shared>>)
      tpu.yield
    }) : () -> ()
    %add3A_7 = arith.constant 256 : i32
    %add3A_8 = arith.addi %mul3A_1, %add3A_7 : i32
    "tpu.region"() ({
      %run_scoped3A = tpu.sem_alloc : memref<!tpu.dma_semaphore, #tpu.memory_space<semaphore_mem>>
      %dma_start3A = arith.constant 0 : i32
      %dma_start3A_24 = tpu.memref_slice %arg18[%add3A_8, %dma_start3A] : memref<10240x128xf32, #tpu.memory_space<vmem_shared>> -> memref<128x128xf32, #tpu.memory_space<vmem_shared>>
      %dma_start3A_25 = arith.constant 0 : i32
      %dma_start3A_26 = tpu.memref_slice %arg18[%add3A_8, %dma_start3A_25] : memref<10240x128xf32, #tpu.memory_space<vmem_shared>> -> memref<128x128xf32, #tpu.memory_space<vmem_shared>>
      tpu.enqueue_dma source(%arg12 : memref<128x128xf32, #tpu.memory_space<vmem>>) target(%dma_start3A_26 : memref<128x128xf32, #tpu.memory_space<vmem_shared>>) target_semaphore(%run_scoped3A : memref<!tpu.dma_semaphore, #tpu.memory_space<semaphore_mem>>)
      %dma_wait3A = arith.constant 0 : i32
      %dma_wait3A_27 = tpu.memref_slice %arg18[%add3A_8, %dma_wait3A] : memref<10240x128xf32, #tpu.memory_space<vmem_shared>> -> memref<128x128xf32, #tpu.memory_space<vmem_shared>>
      %dma_wait3A_28 = arith.constant 0 : i32
      %dma_wait3A_29 = tpu.memref_slice %arg18[%add3A_8, %dma_wait3A_28] : memref<10240x128xf32, #tpu.memory_space<vmem_shared>> -> memref<128x128xf32, #tpu.memory_space<vmem_shared>>
      tpu.wait_dma2 semaphore(%run_scoped3A : memref<!tpu.dma_semaphore, #tpu.memory_space<semaphore_mem>>) src(%arg12 : memref<128x128xf32, #tpu.memory_space<vmem>>) dst(%dma_wait3A_29 : memref<128x128xf32, #tpu.memory_space<vmem_shared>>)
      tpu.yield
    }) : () -> ()
    %add3A_9 = arith.constant 384 : i32
    %add3A_10 = arith.addi %mul3A_1, %add3A_9 : i32
    "tpu.region"() ({
      %run_scoped3A = tpu.sem_alloc : memref<!tpu.dma_semaphore, #tpu.memory_space<semaphore_mem>>
      %dma_start3A = arith.constant 0 : i32
      %dma_start3A_24 = tpu.memref_slice %arg18[%add3A_10, %dma_start3A] : memref<10240x128xf32, #tpu.memory_space<vmem_shared>> -> memref<128x128xf32, #tpu.memory_space<vmem_shared>>
      %dma_start3A_25 = arith.constant 0 : i32
      %dma_start3A_26 = tpu.memref_slice %arg18[%add3A_10, %dma_start3A_25] : memref<10240x128xf32, #tpu.memory_space<vmem_shared>> -> memref<128x128xf32, #tpu.memory_space<vmem_shared>>
      tpu.enqueue_dma source(%arg12 : memref<128x128xf32, #tpu.memory_space<vmem>>) target(%dma_start3A_26 : memref<128x128xf32, #tpu.memory_space<vmem_shared>>) target_semaphore(%run_scoped3A : memref<!tpu.dma_semaphore, #tpu.memory_space<semaphore_mem>>)
      %dma_wait3A = arith.constant 0 : i32
      %dma_wait3A_27 = tpu.memref_slice %arg18[%add3A_10, %dma_wait3A] : memref<10240x128xf32, #tpu.memory_space<vmem_shared>> -> memref<128x128xf32, #tpu.memory_space<vmem_shared>>
      %dma_wait3A_28 = arith.constant 0 : i32
      %dma_wait3A_29 = tpu.memref_slice %arg18[%add3A_10, %dma_wait3A_28] : memref<10240x128xf32, #tpu.memory_space<vmem_shared>> -> memref<128x128xf32, #tpu.memory_space<vmem_shared>>
      tpu.wait_dma2 semaphore(%run_scoped3A : memref<!tpu.dma_semaphore, #tpu.memory_space<semaphore_mem>>) src(%arg12 : memref<128x128xf32, #tpu.memory_space<vmem>>) dst(%dma_wait3A_29 : memref<128x128xf32, #tpu.memory_space<vmem_shared>>)
      tpu.yield
    }) : () -> ()
    %add3A_11 = arith.constant 512 : i32
    %add3A_12 = arith.addi %mul3A_1, %add3A_11 : i32
    "tpu.region"() ({
      %run_scoped3A = tpu.sem_alloc : memref<!tpu.dma_semaphore, #tpu.memory_space<semaphore_mem>>
      %dma_start3A = arith.constant 0 : i32
      %dma_start3A_24 = tpu.memref_slice %arg18[%add3A_12, %dma_start3A] : memref<10240x128xf32, #tpu.memory_space<vmem_shared>> -> memref<128x128xf32, #tpu.memory_space<vmem_shared>>
      %dma_start3A_25 = arith.constant 0 : i32
      %dma_start3A_26 = tpu.memref_slice %arg18[%add3A_12, %dma_start3A_25] : memref<10240x128xf32, #tpu.memory_space<vmem_shared>> -> memref<128x128xf32, #tpu.memory_space<vmem_shared>>
      tpu.enqueue_dma source(%arg12 : memref<128x128xf32, #tpu.memory_space<vmem>>) target(%dma_start3A_26 : memref<128x128xf32, #tpu.memory_space<vmem_shared>>) target_semaphore(%run_scoped3A : memref<!tpu.dma_semaphore, #tpu.memory_space<semaphore_mem>>)
      %dma_wait3A = arith.constant 0 : i32
      %dma_wait3A_27 = tpu.memref_slice %arg18[%add3A_12, %dma_wait3A] : memref<10240x128xf32, #tpu.memory_space<vmem_shared>> -> memref<128x128xf32, #tpu.memory_space<vmem_shared>>
      %dma_wait3A_28 = arith.constant 0 : i32
      %dma_wait3A_29 = tpu.memref_slice %arg18[%add3A_12, %dma_wait3A_28] : memref<10240x128xf32, #tpu.memory_space<vmem_shared>> -> memref<128x128xf32, #tpu.memory_space<vmem_shared>>
      tpu.wait_dma2 semaphore(%run_scoped3A : memref<!tpu.dma_semaphore, #tpu.memory_space<semaphore_mem>>) src(%arg12 : memref<128x128xf32, #tpu.memory_space<vmem>>) dst(%dma_wait3A_29 : memref<128x128xf32, #tpu.memory_space<vmem_shared>>)
      tpu.yield
    }) : () -> ()
    %barrier3A = arith.constant 0 : index
    tpu.barrier barrier_id(%barrier3A)
    %broadcast_in_dim3A_13 = arith.constant 1 : i32
    %broadcast_in_dim3A_14 = vector.broadcast %broadcast_in_dim3A_13 : i32 to vector<16xi32>
    %mul3A_15 = vector.broadcast %arg0 : i32 to vector<16xi32>
    %mul3A_16 = arith.muli %broadcast_in_dim3A_14, %mul3A_15 : vector<16xi32>
    %scan3A = arith.constant 0 : i32
    %scan3A_17 = arith.constant 0 : i32
    %scan3A_18 = arith.constant 5 : i32
    %scan3A_19 = arith.addi %scan3A_17, %scan3A_18 : i32
    %scan3A_20 = arith.constant 1 : i32
    %scan3A_21 = scf.for %scan3A_24 = %scan3A_17 to %scan3A_19 step %scan3A_20 iter_args(%scan3A_25 = %scan3A) -> (i32)  : i32 {
      %mul3A_26 = arith.constant 16 : i32
      %mul3A_27 = arith.muli %scan3A_24, %mul3A_26 : i32
      "tpu.region"() ({
        %run_scoped3A = tpu.sem_alloc : memref<!tpu.dma_semaphore, #tpu.memory_space<semaphore_mem>>
        %dma_start3A = arith.constant 0 : i32
        %dma_start3A_43 = tpu.memref_slice %arg3[%arg1, %mul3A_27, %dma_start3A] : memref<16x80x128xi32, #tpu.memory_space<hbm>> -> memref<1x16x128xi32, #tpu.memory_space<hbm>>
        %dma_start3A_44 = tpu.memref_squeeze %dma_start3A_43 : memref<1x16x128xi32, #tpu.memory_space<hbm>> -> memref<16x128xi32, #tpu.memory_space<hbm>>
        %dma_start3A_45 = arith.constant 0 : i32
        %dma_start3A_46 = tpu.memref_slice %arg3[%arg1, %mul3A_27, %dma_start3A_45] : memref<16x80x128xi32, #tpu.memory_space<hbm>> -> memref<1x16x128xi32, #tpu.memory_space<hbm>>
        %dma_start3A_47 = tpu.memref_squeeze %dma_start3A_46 : memref<1x16x128xi32, #tpu.memory_space<hbm>> -> memref<16x128xi32, #tpu.memory_space<hbm>>
        tpu.enqueue_dma source(%dma_start3A_47 : memref<16x128xi32, #tpu.memory_space<hbm>>) target(%arg8 : memref<16x128xi32, #tpu.memory_space<vmem>>) target_semaphore(%run_scoped3A : memref<!tpu.dma_semaphore, #tpu.memory_space<semaphore_mem>>)
        %dma_wait3A = arith.constant 0 : i32
        %dma_wait3A_48 = tpu.memref_slice %arg3[%arg1, %mul3A_27, %dma_wait3A] : memref<16x80x128xi32, #tpu.memory_space<hbm>> -> memref<1x16x128xi32, #tpu.memory_space<hbm>>
        %dma_wait3A_49 = tpu.memref_squeeze %dma_wait3A_48 : memref<1x16x128xi32, #tpu.memory_space<hbm>> -> memref<16x128xi32, #tpu.memory_space<hbm>>
        %dma_wait3A_50 = arith.constant 0 : i32
        %dma_wait3A_51 = tpu.memref_slice %arg3[%arg1, %mul3A_27, %dma_wait3A_50] : memref<16x80x128xi32, #tpu.memory_space<hbm>> -> memref<1x16x128xi32, #tpu.memory_space<hbm>>
        %dma_wait3A_52 = tpu.memref_squeeze %dma_wait3A_51 : memref<1x16x128xi32, #tpu.memory_space<hbm>> -> memref<16x128xi32, #tpu.memory_space<hbm>>
        tpu.wait_dma2 semaphore(%run_scoped3A : memref<!tpu.dma_semaphore, #tpu.memory_space<semaphore_mem>>) src(%dma_wait3A_52 : memref<16x128xi32, #tpu.memory_space<hbm>>) dst(%arg8 : memref<16x128xi32, #tpu.memory_space<vmem>>)
        tpu.yield
      }) : () -> ()
      %mul3A_28 = arith.constant 16 : i32
      %mul3A_29 = arith.muli %scan3A_24, %mul3A_28 : i32
      "tpu.region"() ({
        %run_scoped3A = tpu.sem_alloc : memref<!tpu.dma_semaphore, #tpu.memory_space<semaphore_mem>>
        %dma_start3A = arith.constant 0 : i32
        %dma_start3A_43 = tpu.memref_slice %arg4[%arg1, %mul3A_29, %dma_start3A] : memref<16x80x128xi32, #tpu.memory_space<hbm>> -> memref<1x16x128xi32, #tpu.memory_space<hbm>>
        %dma_start3A_44 = tpu.memref_squeeze %dma_start3A_43 : memref<1x16x128xi32, #tpu.memory_space<hbm>> -> memref<16x128xi32, #tpu.memory_space<hbm>>
        %dma_start3A_45 = arith.constant 0 : i32
        %dma_start3A_46 = tpu.memref_slice %arg4[%arg1, %mul3A_29, %dma_start3A_45] : memref<16x80x128xi32, #tpu.memory_space<hbm>> -> memref<1x16x128xi32, #tpu.memory_space<hbm>>
        %dma_start3A_47 = tpu.memref_squeeze %dma_start3A_46 : memref<1x16x128xi32, #tpu.memory_space<hbm>> -> memref<16x128xi32, #tpu.memory_space<hbm>>
        tpu.enqueue_dma source(%dma_start3A_47 : memref<16x128xi32, #tpu.memory_space<hbm>>) target(%arg9 : memref<16x128xi32, #tpu.memory_space<vmem>>) target_semaphore(%run_scoped3A : memref<!tpu.dma_semaphore, #tpu.memory_space<semaphore_mem>>)
        %dma_wait3A = arith.constant 0 : i32
        %dma_wait3A_48 = tpu.memref_slice %arg4[%arg1, %mul3A_29, %dma_wait3A] : memref<16x80x128xi32, #tpu.memory_space<hbm>> -> memref<1x16x128xi32, #tpu.memory_space<hbm>>
        %dma_wait3A_49 = tpu.memref_squeeze %dma_wait3A_48 : memref<1x16x128xi32, #tpu.memory_space<hbm>> -> memref<16x128xi32, #tpu.memory_space<hbm>>
        %dma_wait3A_50 = arith.constant 0 : i32
        %dma_wait3A_51 = tpu.memref_slice %arg4[%arg1, %mul3A_29, %dma_wait3A_50] : memref<16x80x128xi32, #tpu.memory_space<hbm>> -> memref<1x16x128xi32, #tpu.memory_space<hbm>>
        %dma_wait3A_52 = tpu.memref_squeeze %dma_wait3A_51 : memref<1x16x128xi32, #tpu.memory_space<hbm>> -> memref<16x128xi32, #tpu.memory_space<hbm>>
        tpu.wait_dma2 semaphore(%run_scoped3A : memref<!tpu.dma_semaphore, #tpu.memory_space<semaphore_mem>>) src(%dma_wait3A_52 : memref<16x128xi32, #tpu.memory_space<hbm>>) dst(%arg9 : memref<16x128xi32, #tpu.memory_space<vmem>>)
        tpu.yield
      }) : () -> ()
      %mul3A_30 = arith.constant 16 : i32
      %mul3A_31 = arith.muli %scan3A_24, %mul3A_30 : i32
      "tpu.region"() ({
        %run_scoped3A = tpu.sem_alloc : memref<!tpu.dma_semaphore, #tpu.memory_space<semaphore_mem>>
        %dma_start3A = arith.constant 0 : i32
        %dma_start3A_43 = tpu.memref_slice %arg5[%arg1, %mul3A_31, %dma_start3A] : memref<16x80x128xf32, #tpu.memory_space<hbm>> -> memref<1x16x128xf32, #tpu.memory_space<hbm>>
        %dma_start3A_44 = tpu.memref_squeeze %dma_start3A_43 : memref<1x16x128xf32, #tpu.memory_space<hbm>> -> memref<16x128xf32, #tpu.memory_space<hbm>>
        %dma_start3A_45 = arith.constant 0 : i32
        %dma_start3A_46 = tpu.memref_slice %arg5[%arg1, %mul3A_31, %dma_start3A_45] : memref<16x80x128xf32, #tpu.memory_space<hbm>> -> memref<1x16x128xf32, #tpu.memory_space<hbm>>
        %dma_start3A_47 = tpu.memref_squeeze %dma_start3A_46 : memref<1x16x128xf32, #tpu.memory_space<hbm>> -> memref<16x128xf32, #tpu.memory_space<hbm>>
        tpu.enqueue_dma source(%dma_start3A_47 : memref<16x128xf32, #tpu.memory_space<hbm>>) target(%arg10 : memref<16x128xf32, #tpu.memory_space<vmem>>) target_semaphore(%run_scoped3A : memref<!tpu.dma_semaphore, #tpu.memory_space<semaphore_mem>>)
        %dma_wait3A = arith.constant 0 : i32
        %dma_wait3A_48 = tpu.memref_slice %arg5[%arg1, %mul3A_31, %dma_wait3A] : memref<16x80x128xf32, #tpu.memory_space<hbm>> -> memref<1x16x128xf32, #tpu.memory_space<hbm>>
        %dma_wait3A_49 = tpu.memref_squeeze %dma_wait3A_48 : memref<1x16x128xf32, #tpu.memory_space<hbm>> -> memref<16x128xf32, #tpu.memory_space<hbm>>
        %dma_wait3A_50 = arith.constant 0 : i32
        %dma_wait3A_51 = tpu.memref_slice %arg5[%arg1, %mul3A_31, %dma_wait3A_50] : memref<16x80x128xf32, #tpu.memory_space<hbm>> -> memref<1x16x128xf32, #tpu.memory_space<hbm>>
        %dma_wait3A_52 = tpu.memref_squeeze %dma_wait3A_51 : memref<1x16x128xf32, #tpu.memory_space<hbm>> -> memref<16x128xf32, #tpu.memory_space<hbm>>
        tpu.wait_dma2 semaphore(%run_scoped3A : memref<!tpu.dma_semaphore, #tpu.memory_space<semaphore_mem>>) src(%dma_wait3A_52 : memref<16x128xf32, #tpu.memory_space<hbm>>) dst(%arg10 : memref<16x128xf32, #tpu.memory_space<vmem>>)
        tpu.yield
      }) : () -> ()
      %parallel_loop3A_32 = arith.constant 0 : i32
      %parallel_loop3A_33 = arith.constant 128 : i32
      %parallel_loop3A_34 = arith.constant 1 : i32
      scf.for %parallel_loop3A_43 = %parallel_loop3A_32 to %parallel_loop3A_33 step %parallel_loop3A_34  : i32 {
        %parallel_loop3A_44 = arith.constant 8 : i32
        %parallel_loop3A_45 = arith.divsi %parallel_loop3A_43, %parallel_loop3A_44 : i32
        %parallel_loop3A_46 = arith.constant 0 : i32
        %parallel_loop3A_47 = arith.cmpi sgt, %parallel_loop3A_43, %parallel_loop3A_46 : i32
        %parallel_loop3A_48 = arith.extui %parallel_loop3A_47 : i1 to i32
        %parallel_loop3A_49 = arith.constant 0 : i32
        %parallel_loop3A_50 = arith.cmpi slt, %parallel_loop3A_43, %parallel_loop3A_49 : i32
        %parallel_loop3A_51 = arith.extui %parallel_loop3A_50 : i1 to i32
        %parallel_loop3A_52 = arith.subi %parallel_loop3A_48, %parallel_loop3A_51 : i32
        %parallel_loop3A_53 = arith.constant 0 : i32
        %parallel_loop3A_54 = arith.cmpi sgt, %parallel_loop3A_44, %parallel_loop3A_53 : i32
        %parallel_loop3A_55 = arith.extui %parallel_loop3A_54 : i1 to i32
        %parallel_loop3A_56 = arith.constant 0 : i32
        %parallel_loop3A_57 = arith.cmpi slt, %parallel_loop3A_44, %parallel_loop3A_56 : i32
        %parallel_loop3A_58 = arith.extui %parallel_loop3A_57 : i1 to i32
        %parallel_loop3A_59 = arith.subi %parallel_loop3A_55, %parallel_loop3A_58 : i32
        %parallel_loop3A_60 = arith.cmpi ne, %parallel_loop3A_52, %parallel_loop3A_59 : i32
        %parallel_loop3A_61 = arith.remsi %parallel_loop3A_43, %parallel_loop3A_44 : i32
        %parallel_loop3A_62 = arith.constant 0 : i32
        %parallel_loop3A_63 = arith.cmpi ne, %parallel_loop3A_61, %parallel_loop3A_62 : i32
        %parallel_loop3A_64 = arith.andi %parallel_loop3A_60, %parallel_loop3A_63 : i1
        %parallel_loop3A_65 = arith.constant 1 : i32
        %parallel_loop3A_66 = arith.subi %parallel_loop3A_45, %parallel_loop3A_65 : i32
        %parallel_loop3A_67 = arith.select %parallel_loop3A_64, %parallel_loop3A_66, %parallel_loop3A_45 : i32
        %parallel_loop3A_68 = arith.constant 8 : i32
        %parallel_loop3A_69 = arith.constant 0 : i32
        %parallel_loop3A_70 = arith.cmpi eq, %parallel_loop3A_68, %parallel_loop3A_69 : i32
        %parallel_loop3A_71 = arith.constant 1 : i32
        %parallel_loop3A_72 = arith.select %parallel_loop3A_70, %parallel_loop3A_71, %parallel_loop3A_68 : i32
        %parallel_loop3A_73 = arith.remsi %parallel_loop3A_43, %parallel_loop3A_72 : i32
        %parallel_loop3A_74 = arith.constant 0 : i32
        %parallel_loop3A_75 = arith.cmpi ne, %parallel_loop3A_73, %parallel_loop3A_74 : i32
        %parallel_loop3A_76 = arith.constant 0 : i32
        %parallel_loop3A_77 = arith.cmpi slt, %parallel_loop3A_73, %parallel_loop3A_76 : i32
        %parallel_loop3A_78 = arith.constant 0 : i32
        %parallel_loop3A_79 = arith.cmpi slt, %parallel_loop3A_72, %parallel_loop3A_78 : i32
        %parallel_loop3A_80 = arith.xori %parallel_loop3A_77, %parallel_loop3A_79 : i1
        %parallel_loop3A_81 = arith.andi %parallel_loop3A_80, %parallel_loop3A_75 : i1
        %parallel_loop3A_82 = arith.addi %parallel_loop3A_73, %parallel_loop3A_72 : i32
        %parallel_loop3A_83 = arith.select %parallel_loop3A_81, %parallel_loop3A_82, %parallel_loop3A_73 : i32
        %parallel_loop3A_84 = arith.constant 16 : i32
        %parallel_loop3A_85 = arith.muli %parallel_loop3A_83, %parallel_loop3A_84 : i32
        %parallel_loop3A_86 = arith.index_cast %parallel_loop3A_67 : i32 to index
        %parallel_loop3A_87 = arith.index_cast %parallel_loop3A_85 : i32 to index
        %parallel_loop3A_88 = tpu.vector_load %arg8[%parallel_loop3A_86, %parallel_loop3A_87] {strides = array<i32>} : memref<16x128xi32, #tpu.memory_space<vmem>>, vector<16xi32>,
        %parallel_loop3A_89 = arith.index_cast %parallel_loop3A_67 : i32 to index
        %parallel_loop3A_90 = arith.index_cast %parallel_loop3A_85 : i32 to index
        %parallel_loop3A_91 = tpu.vector_load %arg10[%parallel_loop3A_89, %parallel_loop3A_90] {strides = array<i32>} : memref<16x128xf32, #tpu.memory_space<vmem>>, vector<16xf32>,
        %parallel_loop3A_92 = tpu.vector_load_idx %arg11[%parallel_loop3A_88] : memref<10000xf32, #tpu.memory_space<vmem>>[vector<16xi32>], vector<16xf32>,
        %parallel_loop3A_93 = arith.mulf %parallel_loop3A_91, %parallel_loop3A_92 : vector<16xf32>
        %parallel_loop3A_94 = arith.index_cast %parallel_loop3A_67 : i32 to index
        %parallel_loop3A_95 = arith.index_cast %parallel_loop3A_85 : i32 to index
        %parallel_loop3A_96 = tpu.vector_load %arg10[%parallel_loop3A_94, %parallel_loop3A_95] {strides = array<i32>} : memref<16x128xf32, #tpu.memory_space<vmem>>, vector<16xf32>,
        tpu.vector_store %arg10[%parallel_loop3A_94, %parallel_loop3A_95], %parallel_loop3A_93 {strides = array<i32>} : memref<16x128xf32, #tpu.memory_space<vmem>>, vector<16xf32>,
        %parallel_loop3A_97 = arith.constant 2 : i32
        %parallel_loop3A_98 = vector.broadcast %parallel_loop3A_97 : i32 to vector<16xi32>
        %parallel_loop3A_99 = arith.muli %parallel_loop3A_88, %parallel_loop3A_98 : vector<16xi32>
        %parallel_loop3A_100 = arith.addi %parallel_loop3A_99, %mul3A_16 : vector<16xi32>
        %parallel_loop3A_101 = arith.index_cast %parallel_loop3A_67 : i32 to index
        %parallel_loop3A_102 = arith.index_cast %parallel_loop3A_85 : i32 to index
        %parallel_loop3A_103 = tpu.vector_load %arg8[%parallel_loop3A_101, %parallel_loop3A_102] {strides = array<i32>} : memref<16x128xi32, #tpu.memory_space<vmem>>, vector<16xi32>,
        tpu.vector_store %arg8[%parallel_loop3A_101, %parallel_loop3A_102], %parallel_loop3A_100 {strides = array<i32>} : memref<16x128xi32, #tpu.memory_space<vmem>>, vector<16xi32>,
      } {sc.loop_unroll_factor = 1 : i64, sc.parallel_access}
      %scan3A_35 = arith.constant 0 : i32
      %scan3A_36 = arith.constant 0 : i32
      %scan3A_37 = arith.constant 8 : i32
      %scan3A_38 = arith.addi %scan3A_36, %scan3A_37 : i32
      %scan3A_39 = arith.constant 1 : i32
      %scan3A_40 = scf.for %scan3A_43 = %scan3A_36 to %scan3A_38 step %scan3A_39 iter_args(%scan3A_44 = %scan3A_35) -> (i32)  : i32 {
        %mul3A_45 = arith.constant 2 : i32
        %mul3A_46 = arith.muli %scan3A_43, %mul3A_45 : i32
        %add3A_47 = arith.constant 0 : i32
        %add3A_48 = arith.addi %mul3A_46, %add3A_47 : i32
        %dma_start3A = arith.constant 0 : i32
        %dma_start3A_49 = tpu.memref_slice %arg8[%add3A_48, %dma_start3A] : memref<16x128xi32, #tpu.memory_space<vmem>> -> memref<1x128xi32, #tpu.memory_space<vmem>>
        %dma_start3A_50 = tpu.memref_squeeze %dma_start3A_49 : memref<1x128xi32, #tpu.memory_space<vmem>> -> memref<128xi32, #tpu.memory_space<vmem>>
        %dma_start3A_51 = arith.constant 0 : i32
        %dma_start3A_52 = arith.constant 0 : i32
        %dma_start3A_53 = tpu.memref_slice %arg2[%dma_start3A_51, %dma_start3A_52] : memref<20000x128xf32, #tpu.memory_space<hbm>> -> memref<20000x128xf32, #tpu.memory_space<hbm>>
        tpu.enqueue_indirect_dma source(%dma_start3A_53 : memref<20000x128xf32, #tpu.memory_space<hbm>>) target(%arg12 : memref<128x128xf32, #tpu.memory_space<vmem>>) offsets(%dma_start3A_50 : memref<128xi32, #tpu.memory_space<vmem>>) semaphore(%arg14 : memref<!tpu.dma_semaphore, #tpu.memory_space<semaphore_mem>>)
        %add3A_54 = arith.constant 1 : i32
        %add3A_55 = arith.addi %mul3A_46, %add3A_54 : i32
        %dma_start3A_56 = arith.constant 0 : i32
        %dma_start3A_57 = tpu.memref_slice %arg8[%add3A_55, %dma_start3A_56] : memref<16x128xi32, #tpu.memory_space<vmem>> -> memref<1x128xi32, #tpu.memory_space<vmem>>
        %dma_start3A_58 = tpu.memref_squeeze %dma_start3A_57 : memref<1x128xi32, #tpu.memory_space<vmem>> -> memref<128xi32, #tpu.memory_space<vmem>>
        %dma_start3A_59 = arith.constant 0 : i32
        %dma_start3A_60 = arith.constant 0 : i32
        %dma_start3A_61 = tpu.memref_slice %arg2[%dma_start3A_59, %dma_start3A_60] : memref<20000x128xf32, #tpu.memory_space<hbm>> -> memref<20000x128xf32, #tpu.memory_space<hbm>>
        tpu.enqueue_indirect_dma source(%dma_start3A_61 : memref<20000x128xf32, #tpu.memory_space<hbm>>) target(%arg13 : memref<128x128xf32, #tpu.memory_space<vmem>>) offsets(%dma_start3A_58 : memref<128xi32, #tpu.memory_space<vmem>>) semaphore(%arg15 : memref<!tpu.dma_semaphore, #tpu.memory_space<semaphore_mem>>)
        %dma_wait3A = arith.constant 0 : i32
        %dma_wait3A_62 = tpu.memref_slice %arg8[%add3A_48, %dma_wait3A] : memref<16x128xi32, #tpu.memory_space<vmem>> -> memref<1x128xi32, #tpu.memory_space<vmem>>
        %dma_wait3A_63 = tpu.memref_squeeze %dma_wait3A_62 : memref<1x128xi32, #tpu.memory_space<vmem>> -> memref<128xi32, #tpu.memory_space<vmem>>
        %dma_wait3A_64 = arith.constant 0 : i32
        %dma_wait3A_65 = arith.constant 0 : i32
        %dma_wait3A_66 = tpu.memref_slice %arg2[%dma_wait3A_64, %dma_wait3A_65] : memref<20000x128xf32, #tpu.memory_space<hbm>> -> memref<20000x128xf32, #tpu.memory_space<hbm>>
        tpu.wait_indirect_dma semaphore(%arg14 : memref<!tpu.dma_semaphore, #tpu.memory_space<semaphore_mem>>) src(%dma_wait3A_66 : memref<20000x128xf32, #tpu.memory_space<hbm>>) dst(%arg12 : memref<128x128xf32, #tpu.memory_space<vmem>>)
        %add3A_67 = arith.constant 0 : i32
        %add3A_68 = arith.addi %mul3A_46, %add3A_67 : i32
        %parallel_loop3A_69 = arith.constant 0 : i32
        %parallel_loop3A_70 = arith.constant 128 : i32
        %parallel_loop3A_71 = arith.constant 1 : i32
        scf.for %parallel_loop3A_108 = %parallel_loop3A_69 to %parallel_loop3A_70 step %parallel_loop3A_71  : i32 {
          %parallel_loop3A_109 = vector.broadcast %add3A_68 : i32 to vector<16xi32>
          %parallel_loop3A_110 = vector.broadcast %parallel_loop3A_108 : i32 to vector<16xi32>
          %parallel_loop3A_111 = tpu.vector_load_idx %arg10[%parallel_loop3A_109, %parallel_loop3A_110] : memref<16x128xf32, #tpu.memory_space<vmem>>[vector<16xi32>, vector<16xi32>], vector<16xf32>,
          %parallel_loop3A_112 = arith.index_cast %parallel_loop3A_108 : i32 to index
          %parallel_loop3A_113 = arith.constant 0 : index
          %parallel_loop3A_114 = tpu.vector_load %arg12[%parallel_loop3A_112, %parallel_loop3A_113] {strides = array<i32>} : memref<128x128xf32, #tpu.memory_space<vmem>>, vector<16xf32>,
          %parallel_loop3A_115 = arith.mulf %parallel_loop3A_114, %parallel_loop3A_111 : vector<16xf32>
          %parallel_loop3A_116 = arith.index_cast %parallel_loop3A_108 : i32 to index
          %parallel_loop3A_117 = arith.constant 0 : index
          %parallel_loop3A_118 = tpu.vector_load %arg12[%parallel_loop3A_116, %parallel_loop3A_117] {strides = array<i32>} : memref<128x128xf32, #tpu.memory_space<vmem>>, vector<16xf32>,
          tpu.vector_store %arg12[%parallel_loop3A_116, %parallel_loop3A_117], %parallel_loop3A_115 {strides = array<i32>} : memref<128x128xf32, #tpu.memory_space<vmem>>, vector<16xf32>,
          %parallel_loop3A_119 = arith.index_cast %parallel_loop3A_108 : i32 to index
          %parallel_loop3A_120 = arith.constant 16 : index
          %parallel_loop3A_121 = tpu.vector_load %arg12[%parallel_loop3A_119, %parallel_loop3A_120] {strides = array<i32>} : memref<128x128xf32, #tpu.memory_space<vmem>>, vector<16xf32>,
          %parallel_loop3A_122 = arith.mulf %parallel_loop3A_121, %parallel_loop3A_111 : vector<16xf32>
          %parallel_loop3A_123 = arith.index_cast %parallel_loop3A_108 : i32 to index
          %parallel_loop3A_124 = arith.constant 16 : index
          %parallel_loop3A_125 = tpu.vector_load %arg12[%parallel_loop3A_123, %parallel_loop3A_124] {strides = array<i32>} : memref<128x128xf32, #tpu.memory_space<vmem>>, vector<16xf32>,
          tpu.vector_store %arg12[%parallel_loop3A_123, %parallel_loop3A_124], %parallel_loop3A_122 {strides = array<i32>} : memref<128x128xf32, #tpu.memory_space<vmem>>, vector<16xf32>,
          %parallel_loop3A_126 = arith.index_cast %parallel_loop3A_108 : i32 to index
          %parallel_loop3A_127 = arith.constant 32 : index
          %parallel_loop3A_128 = tpu.vector_load %arg12[%parallel_loop3A_126, %parallel_loop3A_127] {strides = array<i32>} : memref<128x128xf32, #tpu.memory_space<vmem>>, vector<16xf32>,
          %parallel_loop3A_129 = arith.mulf %parallel_loop3A_128, %parallel_loop3A_111 : vector<16xf32>
          %parallel_loop3A_130 = arith.index_cast %parallel_loop3A_108 : i32 to index
          %parallel_loop3A_131 = arith.constant 32 : index
          %parallel_loop3A_132 = tpu.vector_load %arg12[%parallel_loop3A_130, %parallel_loop3A_131] {strides = array<i32>} : memref<128x128xf32, #tpu.memory_space<vmem>>, vector<16xf32>,
          tpu.vector_store %arg12[%parallel_loop3A_130, %parallel_loop3A_131], %parallel_loop3A_129 {strides = array<i32>} : memref<128x128xf32, #tpu.memory_space<vmem>>, vector<16xf32>,
          %parallel_loop3A_133 = arith.index_cast %parallel_loop3A_108 : i32 to index
          %parallel_loop3A_134 = arith.constant 48 : index
          %parallel_loop3A_135 = tpu.vector_load %arg12[%parallel_loop3A_133, %parallel_loop3A_134] {strides = array<i32>} : memref<128x128xf32, #tpu.memory_space<vmem>>, vector<16xf32>,
          %parallel_loop3A_136 = arith.mulf %parallel_loop3A_135, %parallel_loop3A_111 : vector<16xf32>
          %parallel_loop3A_137 = arith.index_cast %parallel_loop3A_108 : i32 to index
          %parallel_loop3A_138 = arith.constant 48 : index
          %parallel_loop3A_139 = tpu.vector_load %arg12[%parallel_loop3A_137, %parallel_loop3A_138] {strides = array<i32>} : memref<128x128xf32, #tpu.memory_space<vmem>>, vector<16xf32>,
          tpu.vector_store %arg12[%parallel_loop3A_137, %parallel_loop3A_138], %parallel_loop3A_136 {strides = array<i32>} : memref<128x128xf32, #tpu.memory_space<vmem>>, vector<16xf32>,
          %parallel_loop3A_140 = arith.index_cast %parallel_loop3A_108 : i32 to index
          %parallel_loop3A_141 = arith.constant 64 : index
          %parallel_loop3A_142 = tpu.vector_load %arg12[%parallel_loop3A_140, %parallel_loop3A_141] {strides = array<i32>} : memref<128x128xf32, #tpu.memory_space<vmem>>, vector<16xf32>,
          %parallel_loop3A_143 = arith.mulf %parallel_loop3A_142, %parallel_loop3A_111 : vector<16xf32>
          %parallel_loop3A_144 = arith.index_cast %parallel_loop3A_108 : i32 to index
          %parallel_loop3A_145 = arith.constant 64 : index
          %parallel_loop3A_146 = tpu.vector_load %arg12[%parallel_loop3A_144, %parallel_loop3A_145] {strides = array<i32>} : memref<128x128xf32, #tpu.memory_space<vmem>>, vector<16xf32>,
          tpu.vector_store %arg12[%parallel_loop3A_144, %parallel_loop3A_145], %parallel_loop3A_143 {strides = array<i32>} : memref<128x128xf32, #tpu.memory_space<vmem>>, vector<16xf32>,
          %parallel_loop3A_147 = arith.index_cast %parallel_loop3A_108 : i32 to index
          %parallel_loop3A_148 = arith.constant 80 : index
          %parallel_loop3A_149 = tpu.vector_load %arg12[%parallel_loop3A_147, %parallel_loop3A_148] {strides = array<i32>} : memref<128x128xf32, #tpu.memory_space<vmem>>, vector<16xf32>,
          %parallel_loop3A_150 = arith.mulf %parallel_loop3A_149, %parallel_loop3A_111 : vector<16xf32>
          %parallel_loop3A_151 = arith.index_cast %parallel_loop3A_108 : i32 to index
          %parallel_loop3A_152 = arith.constant 80 : index
          %parallel_loop3A_153 = tpu.vector_load %arg12[%parallel_loop3A_151, %parallel_loop3A_152] {strides = array<i32>} : memref<128x128xf32, #tpu.memory_space<vmem>>, vector<16xf32>,
          tpu.vector_store %arg12[%parallel_loop3A_151, %parallel_loop3A_152], %parallel_loop3A_150 {strides = array<i32>} : memref<128x128xf32, #tpu.memory_space<vmem>>, vector<16xf32>,
          %parallel_loop3A_154 = arith.index_cast %parallel_loop3A_108 : i32 to index
          %parallel_loop3A_155 = arith.constant 96 : index
          %parallel_loop3A_156 = tpu.vector_load %arg12[%parallel_loop3A_154, %parallel_loop3A_155] {strides = array<i32>} : memref<128x128xf32, #tpu.memory_space<vmem>>, vector<16xf32>,
          %parallel_loop3A_157 = arith.mulf %parallel_loop3A_156, %parallel_loop3A_111 : vector<16xf32>
          %parallel_loop3A_158 = arith.index_cast %parallel_loop3A_108 : i32 to index
          %parallel_loop3A_159 = arith.constant 96 : index
          %parallel_loop3A_160 = tpu.vector_load %arg12[%parallel_loop3A_158, %parallel_loop3A_159] {strides = array<i32>} : memref<128x128xf32, #tpu.memory_space<vmem>>, vector<16xf32>,
          tpu.vector_store %arg12[%parallel_loop3A_158, %parallel_loop3A_159], %parallel_loop3A_157 {strides = array<i32>} : memref<128x128xf32, #tpu.memory_space<vmem>>, vector<16xf32>,
          %parallel_loop3A_161 = arith.index_cast %parallel_loop3A_108 : i32 to index
          %parallel_loop3A_162 = arith.constant 112 : index
          %parallel_loop3A_163 = tpu.vector_load %arg12[%parallel_loop3A_161, %parallel_loop3A_162] {strides = array<i32>} : memref<128x128xf32, #tpu.memory_space<vmem>>, vector<16xf32>,
          %parallel_loop3A_164 = arith.mulf %parallel_loop3A_163, %parallel_loop3A_111 : vector<16xf32>
          %parallel_loop3A_165 = arith.index_cast %parallel_loop3A_108 : i32 to index
          %parallel_loop3A_166 = arith.constant 112 : index
          %parallel_loop3A_167 = tpu.vector_load %arg12[%parallel_loop3A_165, %parallel_loop3A_166] {strides = array<i32>} : memref<128x128xf32, #tpu.memory_space<vmem>>, vector<16xf32>,
          tpu.vector_store %arg12[%parallel_loop3A_165, %parallel_loop3A_166], %parallel_loop3A_164 {strides = array<i32>} : memref<128x128xf32, #tpu.memory_space<vmem>>, vector<16xf32>,
        } {sc.loop_unroll_factor = 2 : i64, sc.parallel_access}
        %dma_start3A_72 = arith.constant 0 : i32
        %dma_start3A_73 = tpu.memref_slice %arg9[%add3A_68, %dma_start3A_72] : memref<16x128xi32, #tpu.memory_space<vmem>> -> memref<1x128xi32, #tpu.memory_space<vmem>>
        %dma_start3A_74 = tpu.memref_squeeze %dma_start3A_73 : memref<1x128xi32, #tpu.memory_space<vmem>> -> memref<128xi32, #tpu.memory_space<vmem>>
        %dma_start3A_75 = arith.constant 0 : i32
        %dma_start3A_76 = arith.constant 0 : i32
        %dma_start3A_77 = tpu.memref_slice %arg18[%dma_start3A_75, %dma_start3A_76] : memref<10240x128xf32, #tpu.memory_space<vmem_shared>> -> memref<10240x128xf32, #tpu.memory_space<vmem_shared>>
        tpu.enqueue_indirect_dma source(%arg12 : memref<128x128xf32, #tpu.memory_space<vmem>>) target(%dma_start3A_77 : memref<10240x128xf32, #tpu.memory_space<vmem_shared>>) offsets(%dma_start3A_74 : memref<128xi32, #tpu.memory_space<vmem>>) semaphore(%arg16 : memref<!tpu.dma_semaphore, #tpu.memory_space<semaphore_mem>>) {add = true}
        %dma_wait3A_78 = arith.constant 0 : i32
        %dma_wait3A_79 = tpu.memref_slice %arg8[%add3A_55, %dma_wait3A_78] : memref<16x128xi32, #tpu.memory_space<vmem>> -> memref<1x128xi32, #tpu.memory_space<vmem>>
        %dma_wait3A_80 = tpu.memref_squeeze %dma_wait3A_79 : memref<1x128xi32, #tpu.memory_space<vmem>> -> memref<128xi32, #tpu.memory_space<vmem>>
        %dma_wait3A_81 = arith.constant 0 : i32
        %dma_wait3A_82 = arith.constant 0 : i32
        %dma_wait3A_83 = tpu.memref_slice %arg2[%dma_wait3A_81, %dma_wait3A_82] : memref<20000x128xf32, #tpu.memory_space<hbm>> -> memref<20000x128xf32, #tpu.memory_space<hbm>>
        tpu.wait_indirect_dma semaphore(%arg15 : memref<!tpu.dma_semaphore, #tpu.memory_space<semaphore_mem>>) src(%dma_wait3A_83 : memref<20000x128xf32, #tpu.memory_space<hbm>>) dst(%arg13 : memref<128x128xf32, #tpu.memory_space<vmem>>)
        %add3A_84 = arith.constant 1 : i32
        %add3A_85 = arith.addi %mul3A_46, %add3A_84 : i32
        %parallel_loop3A_86 = arith.constant 0 : i32
        %parallel_loop3A_87 = arith.constant 128 : i32
        %parallel_loop3A_88 = arith.constant 1 : i32
        scf.for %parallel_loop3A_108 = %parallel_loop3A_86 to %parallel_loop3A_87 step %parallel_loop3A_88  : i32 {
          %parallel_loop3A_109 = vector.broadcast %add3A_85 : i32 to vector<16xi32>
          %parallel_loop3A_110 = vector.broadcast %parallel_loop3A_108 : i32 to vector<16xi32>
          %parallel_loop3A_111 = tpu.vector_load_idx %arg10[%parallel_loop3A_109, %parallel_loop3A_110] : memref<16x128xf32, #tpu.memory_space<vmem>>[vector<16xi32>, vector<16xi32>], vector<16xf32>,
          %parallel_loop3A_112 = arith.index_cast %parallel_loop3A_108 : i32 to index
          %parallel_loop3A_113 = arith.constant 0 : index
          %parallel_loop3A_114 = tpu.vector_load %arg13[%parallel_loop3A_112, %parallel_loop3A_113] {strides = array<i32>} : memref<128x128xf32, #tpu.memory_space<vmem>>, vector<16xf32>,
          %parallel_loop3A_115 = arith.mulf %parallel_loop3A_114, %parallel_loop3A_111 : vector<16xf32>
          %parallel_loop3A_116 = arith.index_cast %parallel_loop3A_108 : i32 to index
          %parallel_loop3A_117 = arith.constant 0 : index
          %parallel_loop3A_118 = tpu.vector_load %arg13[%parallel_loop3A_116, %parallel_loop3A_117] {strides = array<i32>} : memref<128x128xf32, #tpu.memory_space<vmem>>, vector<16xf32>,
          tpu.vector_store %arg13[%parallel_loop3A_116, %parallel_loop3A_117], %parallel_loop3A_115 {strides = array<i32>} : memref<128x128xf32, #tpu.memory_space<vmem>>, vector<16xf32>,
          %parallel_loop3A_119 = arith.index_cast %parallel_loop3A_108 : i32 to index
          %parallel_loop3A_120 = arith.constant 16 : index
          %parallel_loop3A_121 = tpu.vector_load %arg13[%parallel_loop3A_119, %parallel_loop3A_120] {strides = array<i32>} : memref<128x128xf32, #tpu.memory_space<vmem>>, vector<16xf32>,
          %parallel_loop3A_122 = arith.mulf %parallel_loop3A_121, %parallel_loop3A_111 : vector<16xf32>
          %parallel_loop3A_123 = arith.index_cast %parallel_loop3A_108 : i32 to index
          %parallel_loop3A_124 = arith.constant 16 : index
          %parallel_loop3A_125 = tpu.vector_load %arg13[%parallel_loop3A_123, %parallel_loop3A_124] {strides = array<i32>} : memref<128x128xf32, #tpu.memory_space<vmem>>, vector<16xf32>,
          tpu.vector_store %arg13[%parallel_loop3A_123, %parallel_loop3A_124], %parallel_loop3A_122 {strides = array<i32>} : memref<128x128xf32, #tpu.memory_space<vmem>>, vector<16xf32>,
          %parallel_loop3A_126 = arith.index_cast %parallel_loop3A_108 : i32 to index
          %parallel_loop3A_127 = arith.constant 32 : index
          %parallel_loop3A_128 = tpu.vector_load %arg13[%parallel_loop3A_126, %parallel_loop3A_127] {strides = array<i32>} : memref<128x128xf32, #tpu.memory_space<vmem>>, vector<16xf32>,
          %parallel_loop3A_129 = arith.mulf %parallel_loop3A_128, %parallel_loop3A_111 : vector<16xf32>
          %parallel_loop3A_130 = arith.index_cast %parallel_loop3A_108 : i32 to index
          %parallel_loop3A_131 = arith.constant 32 : index
          %parallel_loop3A_132 = tpu.vector_load %arg13[%parallel_loop3A_130, %parallel_loop3A_131] {strides = array<i32>} : memref<128x128xf32, #tpu.memory_space<vmem>>, vector<16xf32>,
          tpu.vector_store %arg13[%parallel_loop3A_130, %parallel_loop3A_131], %parallel_loop3A_129 {strides = array<i32>} : memref<128x128xf32, #tpu.memory_space<vmem>>, vector<16xf32>,
          %parallel_loop3A_133 = arith.index_cast %parallel_loop3A_108 : i32 to index
          %parallel_loop3A_134 = arith.constant 48 : index
          %parallel_loop3A_135 = tpu.vector_load %arg13[%parallel_loop3A_133, %parallel_loop3A_134] {strides = array<i32>} : memref<128x128xf32, #tpu.memory_space<vmem>>, vector<16xf32>,
          %parallel_loop3A_136 = arith.mulf %parallel_loop3A_135, %parallel_loop3A_111 : vector<16xf32>
          %parallel_loop3A_137 = arith.index_cast %parallel_loop3A_108 : i32 to index
          %parallel_loop3A_138 = arith.constant 48 : index
          %parallel_loop3A_139 = tpu.vector_load %arg13[%parallel_loop3A_137, %parallel_loop3A_138] {strides = array<i32>} : memref<128x128xf32, #tpu.memory_space<vmem>>, vector<16xf32>,
          tpu.vector_store %arg13[%parallel_loop3A_137, %parallel_loop3A_138], %parallel_loop3A_136 {strides = array<i32>} : memref<128x128xf32, #tpu.memory_space<vmem>>, vector<16xf32>,
          %parallel_loop3A_140 = arith.index_cast %parallel_loop3A_108 : i32 to index
          %parallel_loop3A_141 = arith.constant 64 : index
          %parallel_loop3A_142 = tpu.vector_load %arg13[%parallel_loop3A_140, %parallel_loop3A_141] {strides = array<i32>} : memref<128x128xf32, #tpu.memory_space<vmem>>, vector<16xf32>,
          %parallel_loop3A_143 = arith.mulf %parallel_loop3A_142, %parallel_loop3A_111 : vector<16xf32>
          %parallel_loop3A_144 = arith.index_cast %parallel_loop3A_108 : i32 to index
          %parallel_loop3A_145 = arith.constant 64 : index
          %parallel_loop3A_146 = tpu.vector_load %arg13[%parallel_loop3A_144, %parallel_loop3A_145] {strides = array<i32>} : memref<128x128xf32, #tpu.memory_space<vmem>>, vector<16xf32>,
          tpu.vector_store %arg13[%parallel_loop3A_144, %parallel_loop3A_145], %parallel_loop3A_143 {strides = array<i32>} : memref<128x128xf32, #tpu.memory_space<vmem>>, vector<16xf32>,
          %parallel_loop3A_147 = arith.index_cast %parallel_loop3A_108 : i32 to index
          %parallel_loop3A_148 = arith.constant 80 : index
          %parallel_loop3A_149 = tpu.vector_load %arg13[%parallel_loop3A_147, %parallel_loop3A_148] {strides = array<i32>} : memref<128x128xf32, #tpu.memory_space<vmem>>, vector<16xf32>,
          %parallel_loop3A_150 = arith.mulf %parallel_loop3A_149, %parallel_loop3A_111 : vector<16xf32>
          %parallel_loop3A_151 = arith.index_cast %parallel_loop3A_108 : i32 to index
          %parallel_loop3A_152 = arith.constant 80 : index
          %parallel_loop3A_153 = tpu.vector_load %arg13[%parallel_loop3A_151, %parallel_loop3A_152] {strides = array<i32>} : memref<128x128xf32, #tpu.memory_space<vmem>>, vector<16xf32>,
          tpu.vector_store %arg13[%parallel_loop3A_151, %parallel_loop3A_152], %parallel_loop3A_150 {strides = array<i32>} : memref<128x128xf32, #tpu.memory_space<vmem>>, vector<16xf32>,
          %parallel_loop3A_154 = arith.index_cast %parallel_loop3A_108 : i32 to index
          %parallel_loop3A_155 = arith.constant 96 : index
          %parallel_loop3A_156 = tpu.vector_load %arg13[%parallel_loop3A_154, %parallel_loop3A_155] {strides = array<i32>} : memref<128x128xf32, #tpu.memory_space<vmem>>, vector<16xf32>,
          %parallel_loop3A_157 = arith.mulf %parallel_loop3A_156, %parallel_loop3A_111 : vector<16xf32>
          %parallel_loop3A_158 = arith.index_cast %parallel_loop3A_108 : i32 to index
          %parallel_loop3A_159 = arith.constant 96 : index
          %parallel_loop3A_160 = tpu.vector_load %arg13[%parallel_loop3A_158, %parallel_loop3A_159] {strides = array<i32>} : memref<128x128xf32, #tpu.memory_space<vmem>>, vector<16xf32>,
          tpu.vector_store %arg13[%parallel_loop3A_158, %parallel_loop3A_159], %parallel_loop3A_157 {strides = array<i32>} : memref<128x128xf32, #tpu.memory_space<vmem>>, vector<16xf32>,
          %parallel_loop3A_161 = arith.index_cast %parallel_loop3A_108 : i32 to index
          %parallel_loop3A_162 = arith.constant 112 : index
          %parallel_loop3A_163 = tpu.vector_load %arg13[%parallel_loop3A_161, %parallel_loop3A_162] {strides = array<i32>} : memref<128x128xf32, #tpu.memory_space<vmem>>, vector<16xf32>,
          %parallel_loop3A_164 = arith.mulf %parallel_loop3A_163, %parallel_loop3A_111 : vector<16xf32>
          %parallel_loop3A_165 = arith.index_cast %parallel_loop3A_108 : i32 to index
          %parallel_loop3A_166 = arith.constant 112 : index
          %parallel_loop3A_167 = tpu.vector_load %arg13[%parallel_loop3A_165, %parallel_loop3A_166] {strides = array<i32>} : memref<128x128xf32, #tpu.memory_space<vmem>>, vector<16xf32>,
          tpu.vector_store %arg13[%parallel_loop3A_165, %parallel_loop3A_166], %parallel_loop3A_164 {strides = array<i32>} : memref<128x128xf32, #tpu.memory_space<vmem>>, vector<16xf32>,
        } {sc.loop_unroll_factor = 2 : i64, sc.parallel_access}
        %dma_start3A_89 = arith.constant 0 : i32
        %dma_start3A_90 = tpu.memref_slice %arg9[%add3A_85, %dma_start3A_89] : memref<16x128xi32, #tpu.memory_space<vmem>> -> memref<1x128xi32, #tpu.memory_space<vmem>>
        %dma_start3A_91 = tpu.memref_squeeze %dma_start3A_90 : memref<1x128xi32, #tpu.memory_space<vmem>> -> memref<128xi32, #tpu.memory_space<vmem>>
        %dma_start3A_92 = arith.constant 0 : i32
        %dma_start3A_93 = arith.constant 0 : i32
        %dma_start3A_94 = tpu.memref_slice %arg18[%dma_start3A_92, %dma_start3A_93] : memref<10240x128xf32, #tpu.memory_space<vmem_shared>> -> memref<10240x128xf32, #tpu.memory_space<vmem_shared>>
        tpu.enqueue_indirect_dma source(%arg13 : memref<128x128xf32, #tpu.memory_space<vmem>>) target(%dma_start3A_94 : memref<10240x128xf32, #tpu.memory_space<vmem_shared>>) offsets(%dma_start3A_91 : memref<128xi32, #tpu.memory_space<vmem>>) semaphore(%arg17 : memref<!tpu.dma_semaphore, #tpu.memory_space<semaphore_mem>>) {add = true}
        %dma_wait3A_95 = arith.constant 0 : i32
        %dma_wait3A_96 = tpu.memref_slice %arg9[%add3A_68, %dma_wait3A_95] : memref<16x128xi32, #tpu.memory_space<vmem>> -> memref<1x128xi32, #tpu.memory_space<vmem>>
        %dma_wait3A_97 = tpu.memref_squeeze %dma_wait3A_96 : memref<1x128xi32, #tpu.memory_space<vmem>> -> memref<128xi32, #tpu.memory_space<vmem>>
        %dma_wait3A_98 = arith.constant 0 : i32
        %dma_wait3A_99 = arith.constant 0 : i32
        %dma_wait3A_100 = tpu.memref_slice %arg18[%dma_wait3A_98, %dma_wait3A_99] : memref<10240x128xf32, #tpu.memory_space<vmem_shared>> -> memref<10240x128xf32, #tpu.memory_space<vmem_shared>>
        tpu.wait_indirect_dma semaphore(%arg16 : memref<!tpu.dma_semaphore, #tpu.memory_space<semaphore_mem>>) src(%arg12 : memref<128x128xf32, #tpu.memory_space<vmem>>) dst(%dma_wait3A_100 : memref<10240x128xf32, #tpu.memory_space<vmem_shared>>)
        %dma_wait3A_101 = arith.constant 0 : i32
        %dma_wait3A_102 = tpu.memref_slice %arg9[%add3A_85, %dma_wait3A_101] : memref<16x128xi32, #tpu.memory_space<vmem>> -> memref<1x128xi32, #tpu.memory_space<vmem>>
        %dma_wait3A_103 = tpu.memref_squeeze %dma_wait3A_102 : memref<1x128xi32, #tpu.memory_space<vmem>> -> memref<128xi32, #tpu.memory_space<vmem>>
        %dma_wait3A_104 = arith.constant 0 : i32
        %dma_wait3A_105 = arith.constant 0 : i32
        %dma_wait3A_106 = tpu.memref_slice %arg18[%dma_wait3A_104, %dma_wait3A_105] : memref<10240x128xf32, #tpu.memory_space<vmem_shared>> -> memref<10240x128xf32, #tpu.memory_space<vmem_shared>>
        tpu.wait_indirect_dma semaphore(%arg17 : memref<!tpu.dma_semaphore, #tpu.memory_space<semaphore_mem>>) src(%arg13 : memref<128x128xf32, #tpu.memory_space<vmem>>) dst(%dma_wait3A_106 : memref<10240x128xf32, #tpu.memory_space<vmem_shared>>)
        %scan3A_107 = arith.constant 0 : i32
        scf.yield %scan3A_107 : i32
      }
      %scan3A_41 = arith.constant 8 : i32
      %scan3A_42 = arith.constant 0 : i32
      scf.yield %scan3A_42 : i32
    }
    %scan3A_22 = arith.constant 5 : i32
    %barrier3A_23 = arith.constant 0 : index
    tpu.barrier barrier_id(%barrier3A_23)
    "tpu.region"() ({
      %run_scoped3A = tpu.sem_alloc : memref<!tpu.dma_semaphore, #tpu.memory_space<semaphore_mem>>
      %dma_start3A = arith.constant 0 : i32
      %dma_start3A_24 = tpu.memref_slice %arg7[%arg0, %mul3A_1, %dma_start3A] : memref<2x10240x128xf32, #tpu.memory_space<hbm>> -> memref<1x640x128xf32, #tpu.memory_space<hbm>>
      %dma_start3A_25 = tpu.memref_squeeze %dma_start3A_24 : memref<1x640x128xf32, #tpu.memory_space<hbm>> -> memref<640x128xf32, #tpu.memory_space<hbm>>
      %dma_start3A_26 = arith.constant 0 : i32
      %dma_start3A_27 = tpu.memref_slice %arg18[%mul3A_1, %dma_start3A_26] : memref<10240x128xf32, #tpu.memory_space<vmem_shared>> -> memref<640x128xf32, #tpu.memory_space<vmem_shared>>
      tpu.enqueue_dma source(%dma_start3A_27 : memref<640x128xf32, #tpu.memory_space<vmem_shared>>) target(%dma_start3A_25 : memref<640x128xf32, #tpu.memory_space<hbm>>) target_semaphore(%run_scoped3A : memref<!tpu.dma_semaphore, #tpu.memory_space<semaphore_mem>>)
      %dma_wait3A = arith.constant 0 : i32
      %dma_wait3A_28 = tpu.memref_slice %arg7[%arg0, %mul3A_1, %dma_wait3A] : memref<2x10240x128xf32, #tpu.memory_space<hbm>> -> memref<1x640x128xf32, #tpu.memory_space<hbm>>
      %dma_wait3A_29 = tpu.memref_squeeze %dma_wait3A_28 : memref<1x640x128xf32, #tpu.memory_space<hbm>> -> memref<640x128xf32, #tpu.memory_space<hbm>>
      %dma_wait3A_30 = arith.constant 0 : i32
      %dma_wait3A_31 = tpu.memref_slice %arg18[%mul3A_1, %dma_wait3A_30] : memref<10240x128xf32, #tpu.memory_space<vmem_shared>> -> memref<640x128xf32, #tpu.memory_space<vmem_shared>>
      tpu.wait_dma2 semaphore(%run_scoped3A : memref<!tpu.dma_semaphore, #tpu.memory_space<semaphore_mem>>) src(%dma_wait3A_31 : memref<640x128xf32, #tpu.memory_space<vmem_shared>>) dst(%dma_wait3A_29 : memref<640x128xf32, #tpu.memory_space<hbm>>)
      tpu.yield
    }) : () -> ()
    return
  }
}

module attributes {stable_mosaic.version = 14 : i64} {
  func.func @_dense_body(%arg0: i32, %arg1: memref<1x1000x128xf32, #tpu.memory_space<vmem>>, %arg2: memref<1x1000x128xf32, #tpu.memory_space<vmem>>, %arg3: memref<1000x256xf32, #tpu.memory_space<vmem>>, %arg4: memref<1000x1xf32, #tpu.memory_space<vmem>>, %arg5: memref<256x768xf32, #tpu.memory_space<vmem>>, %arg6: memref<256x256xf32, #tpu.memory_space<vmem>>, %arg7: memref<256x256xf32, #tpu.memory_space<vmem>>, %arg8: memref<256x256xf32, #tpu.memory_space<vmem>>, %arg9: memref<256x512xf32, #tpu.memory_space<vmem>>, %arg10: memref<256x256xf32, #tpu.memory_space<vmem>>, %arg11: memref<1x512xf32, #tpu.memory_space<vmem>>, %arg12: memref<1x256xf32, #tpu.memory_space<vmem>>, %arg13: memref<1000x256xf32, #tpu.memory_space<vmem>>) attributes {dimension_semantics = [#tpu.dimension_semantics<arbitrary>], iteration_bounds = array<i64: 10>, scalar_prefetch = 0 : i64, scratch_operands = 0 : i64, tpu.core_type = #tpu.core_type<tc>, window_params = [{transform_indices = @transform_0, window_bounds = array<i64: 1, 1000, 128>}, {transform_indices = @transform_1, window_bounds = array<i64: 1, 1000, 128>}, {transform_indices = @transform_2, window_bounds = array<i64: 1000, 256>}, {transform_indices = @transform_3, window_bounds = array<i64: 1000, 1>}, {pipeline_mode = #tpu.pipeline_mode<synchronous>, transform_indices = @transform_4, window_bounds = array<i64: 256, 768>}, {pipeline_mode = #tpu.pipeline_mode<synchronous>, transform_indices = @transform_5, window_bounds = array<i64: 256, 256>}, {pipeline_mode = #tpu.pipeline_mode<synchronous>, transform_indices = @transform_6, window_bounds = array<i64: 256, 256>}, {pipeline_mode = #tpu.pipeline_mode<synchronous>, transform_indices = @transform_7, window_bounds = array<i64: 256, 256>}, {pipeline_mode = #tpu.pipeline_mode<synchronous>, transform_indices = @transform_8, window_bounds = array<i64: 256, 512>}, {pipeline_mode = #tpu.pipeline_mode<synchronous>, transform_indices = @transform_9, window_bounds = array<i64: 256, 256>}, {pipeline_mode = #tpu.pipeline_mode<synchronous>, transform_indices = @transform_10, window_bounds = array<i64: 1, 512>}, {pipeline_mode = #tpu.pipeline_mode<synchronous>, transform_indices = @transform_11, window_bounds = array<i64: 1, 256>}, {transform_indices = @transform_12, window_bounds = array<i64: 1000, 256>}]} {
    %get3A = arith.constant 0 : index
    %get3A_0 = arith.constant 0 : index
    %get3A_1 = vector.load %arg3[%get3A, %get3A_0] : memref<1000x256xf32, #tpu.memory_space<vmem>>, vector<1000x256xf32>
    %get3A_2 = arith.constant 0 : index
    %get3A_3 = arith.constant 0 : index
    %get3A_4 = vector.load %arg4[%get3A_2, %get3A_3] : memref<1000x1xf32, #tpu.memory_space<vmem>>, vector<1000x1xf32>
    %get3A_5 = arith.constant 0 : index
    %get3A_6 = arith.constant 0 : index
    %get3A_7 = arith.constant 0 : index
    %get3A_8 = vector.load %arg1[%get3A_5, %get3A_6, %get3A_7] : memref<1x1000x128xf32, #tpu.memory_space<vmem>>, vector<1x1000x128xf32>
    %get3A_9 = vector.shape_cast %get3A_8 : vector<1x1000x128xf32> to vector<1000x128xf32>
    %get3A_10 = arith.constant 0 : index
    %get3A_11 = arith.constant 0 : index
    %get3A_12 = vector.load %arg5[%get3A_10, %get3A_11] : memref<256x768xf32, #tpu.memory_space<vmem>>, vector<128x768xf32>
    %dot_general3A = arith.constant dense<0.000000e+00> : vector<1000x768xf32>
    %dot_general3A_13 = tpu.matmul %get3A_9, %get3A_12, %dot_general3A {dimension_numbers = #tpu.dot_dimension_numbers<[1], [0], [0], [1], [0, 0, 1, 1], [], []>, transpose_lhs_hint = false} : vector<1000x128xf32>, vector<128x768xf32>, vector<1000x768xf32> -> vector<1000x768xf32>
    %get3A_14 = arith.constant 0 : index
    %get3A_15 = arith.constant 0 : index
    %get3A_16 = arith.constant 0 : index
    %get3A_17 = vector.load %arg2[%get3A_14, %get3A_15, %get3A_16] : memref<1x1000x128xf32, #tpu.memory_space<vmem>>, vector<1x1000x128xf32>
    %get3A_18 = vector.shape_cast %get3A_17 : vector<1x1000x128xf32> to vector<1000x128xf32>
    %get3A_19 = arith.constant 128 : index
    %get3A_20 = arith.constant 0 : index
    %get3A_21 = vector.load %arg5[%get3A_19, %get3A_20] : memref<256x768xf32, #tpu.memory_space<vmem>>, vector<128x768xf32>
    %dot_general3A_22 = arith.constant dense<0.000000e+00> : vector<1000x768xf32>
    %dot_general3A_23 = tpu.matmul %get3A_18, %get3A_21, %dot_general3A_22 {dimension_numbers = #tpu.dot_dimension_numbers<[1], [0], [0], [1], [0, 0, 1, 1], [], []>, transpose_lhs_hint = false} : vector<1000x128xf32>, vector<128x768xf32>, vector<1000x768xf32> -> vector<1000x768xf32>
    %add3A = arith.addf %dot_general3A_13, %dot_general3A_23 : vector<1000x768xf32>
    %mul3A = vector.broadcast %get3A_4 : vector<1000x1xf32> to vector<1000x768xf32>
    %mul3A_24 = arith.mulf %add3A, %mul3A : vector<1000x768xf32>
    %get3A_25 = arith.constant 0 : index
    %get3A_26 = arith.constant 0 : index
    %get3A_27 = vector.load %arg9[%get3A_25, %get3A_26] : memref<256x512xf32, #tpu.memory_space<vmem>>, vector<256x512xf32>
    %dot_general3A_28 = arith.constant dense<0.000000e+00> : vector<1000x512xf32>
    %dot_general3A_29 = tpu.matmul %get3A_1, %get3A_27, %dot_general3A_28 {dimension_numbers = #tpu.dot_dimension_numbers<[1], [0], [0], [1], [0, 0, 1, 1], [], []>, transpose_lhs_hint = false} : vector<1000x256xf32>, vector<256x512xf32>, vector<1000x512xf32> -> vector<1000x512xf32>
    %slice3A = vector.extract_strided_slice %mul3A_24 {offsets = [0, 0], sizes = [1000, 256], strides = [1, 1]} : vector<1000x768xf32> to vector<1000x256xf32>
    %get3A_30 = arith.constant 0 : index
    %get3A_31 = arith.constant 0 : index
    %get3A_32 = vector.load %arg6[%get3A_30, %get3A_31] : memref<256x256xf32, #tpu.memory_space<vmem>>, vector<256x256xf32>
    %dot_general3A_33 = arith.constant dense<0.000000e+00> : vector<1000x256xf32>
    %dot_general3A_34 = tpu.matmul %slice3A, %get3A_32, %dot_general3A_33 {dimension_numbers = #tpu.dot_dimension_numbers<[1], [0], [0], [1], [0, 0, 1, 1], [], []>, transpose_lhs_hint = false} : vector<1000x256xf32>, vector<256x256xf32>, vector<1000x256xf32> -> vector<1000x256xf32>
    %slice3A_35 = vector.extract_strided_slice %dot_general3A_29 {offsets = [0, 0], sizes = [1000, 256], strides = [1, 1]} : vector<1000x512xf32> to vector<1000x256xf32>
    %add3A_36 = arith.addf %dot_general3A_34, %slice3A_35 : vector<1000x256xf32>
    %get3A_37 = arith.constant 0 : index
    %get3A_38 = arith.constant 0 : index
    %get3A_39 = vector.load %arg11[%get3A_37, %get3A_38] : memref<1x512xf32, #tpu.memory_space<vmem>>, vector<1x256xf32>
    %get3A_40 = vector.shape_cast %get3A_39 : vector<1x256xf32> to vector<256xf32>
    %broadcast_in_dim3A = vector.shape_cast %get3A_40 : vector<256xf32> to vector<1x256xf32>
    %add3A_41 = vector.broadcast %broadcast_in_dim3A : vector<1x256xf32> to vector<1000x256xf32>
    %add3A_42 = arith.addf %add3A_36, %add3A_41 : vector<1000x256xf32>
    %slice3A_43 = vector.extract_strided_slice %mul3A_24 {offsets = [0, 256], sizes = [1000, 256], strides = [1, 1]} : vector<1000x768xf32> to vector<1000x256xf32>
    %get3A_44 = arith.constant 0 : index
    %get3A_45 = arith.constant 0 : index
    %get3A_46 = vector.load %arg7[%get3A_44, %get3A_45] : memref<256x256xf32, #tpu.memory_space<vmem>>, vector<256x256xf32>
    %dot_general3A_47 = arith.constant dense<0.000000e+00> : vector<1000x256xf32>
    %dot_general3A_48 = tpu.matmul %slice3A_43, %get3A_46, %dot_general3A_47 {dimension_numbers = #tpu.dot_dimension_numbers<[1], [0], [0], [1], [0, 0, 1, 1], [], []>, transpose_lhs_hint = false} : vector<1000x256xf32>, vector<256x256xf32>, vector<1000x256xf32> -> vector<1000x256xf32>
    %slice3A_49 = vector.extract_strided_slice %dot_general3A_29 {offsets = [0, 256], sizes = [1000, 256], strides = [1, 1]} : vector<1000x512xf32> to vector<1000x256xf32>
    %add3A_50 = arith.addf %dot_general3A_48, %slice3A_49 : vector<1000x256xf32>
    %get3A_51 = arith.constant 0 : index
    %get3A_52 = arith.constant 256 : index
    %get3A_53 = vector.load %arg11[%get3A_51, %get3A_52] : memref<1x512xf32, #tpu.memory_space<vmem>>, vector<1x256xf32>
    %get3A_54 = vector.shape_cast %get3A_53 : vector<1x256xf32> to vector<256xf32>
    %broadcast_in_dim3A_55 = vector.shape_cast %get3A_54 : vector<256xf32> to vector<1x256xf32>
    %add3A_56 = vector.broadcast %broadcast_in_dim3A_55 : vector<1x256xf32> to vector<1000x256xf32>
    %add3A_57 = arith.addf %add3A_50, %add3A_56 : vector<1000x256xf32>
    %logistic3A = arith.negf %add3A_42 : vector<1000x256xf32>
    %logistic3A_58 = math.exp %logistic3A : vector<1000x256xf32>
    %logistic3A_59 = arith.constant 1.000000e+00 : f32
    %logistic3A_60 = vector.broadcast %logistic3A_59 : f32 to vector<1000x256xf32>
    %logistic3A_61 = arith.addf %logistic3A_60, %logistic3A_58 : vector<1000x256xf32>
    %logistic3A_62 = arith.divf %logistic3A_60, %logistic3A_61 : vector<1000x256xf32>
    %logistic3A_63 = arith.negf %add3A_57 : vector<1000x256xf32>
    %logistic3A_64 = math.exp %logistic3A_63 : vector<1000x256xf32>
    %logistic3A_65 = arith.constant 1.000000e+00 : f32
    %logistic3A_66 = vector.broadcast %logistic3A_65 : f32 to vector<1000x256xf32>
    %logistic3A_67 = arith.addf %logistic3A_66, %logistic3A_64 : vector<1000x256xf32>
    %logistic3A_68 = arith.divf %logistic3A_66, %logistic3A_67 : vector<1000x256xf32>
    %slice3A_69 = vector.extract_strided_slice %mul3A_24 {offsets = [0, 512], sizes = [1000, 256], strides = [1, 1]} : vector<1000x768xf32> to vector<1000x256xf32>
    %get3A_70 = arith.constant 0 : index
    %get3A_71 = arith.constant 0 : index
    %get3A_72 = vector.load %arg8[%get3A_70, %get3A_71] : memref<256x256xf32, #tpu.memory_space<vmem>>, vector<256x256xf32>
    %dot_general3A_73 = arith.constant dense<0.000000e+00> : vector<1000x256xf32>
    %dot_general3A_74 = tpu.matmul %slice3A_69, %get3A_72, %dot_general3A_73 {dimension_numbers = #tpu.dot_dimension_numbers<[1], [0], [0], [1], [0, 0, 1, 1], [], []>, transpose_lhs_hint = false} : vector<1000x256xf32>, vector<256x256xf32>, vector<1000x256xf32> -> vector<1000x256xf32>
    %mul3A_75 = arith.mulf %get3A_1, %logistic3A_68 : vector<1000x256xf32>
    %get3A_76 = arith.constant 0 : index
    %get3A_77 = arith.constant 0 : index
    %get3A_78 = vector.load %arg10[%get3A_76, %get3A_77] : memref<256x256xf32, #tpu.memory_space<vmem>>, vector<256x256xf32>
    %dot_general3A_79 = arith.constant dense<0.000000e+00> : vector<1000x256xf32>
    %dot_general3A_80 = tpu.matmul %mul3A_75, %get3A_78, %dot_general3A_79 {dimension_numbers = #tpu.dot_dimension_numbers<[1], [0], [0], [1], [0, 0, 1, 1], [], []>, transpose_lhs_hint = false} : vector<1000x256xf32>, vector<256x256xf32>, vector<1000x256xf32> -> vector<1000x256xf32>
    %add3A_81 = arith.addf %dot_general3A_74, %dot_general3A_80 : vector<1000x256xf32>
    %get3A_82 = arith.constant 0 : index
    %get3A_83 = arith.constant 0 : index
    %get3A_84 = vector.load %arg12[%get3A_82, %get3A_83] : memref<1x256xf32, #tpu.memory_space<vmem>>, vector<1x256xf32>
    %get3A_85 = vector.shape_cast %get3A_84 : vector<1x256xf32> to vector<256xf32>
    %broadcast_in_dim3A_86 = vector.shape_cast %get3A_85 : vector<256xf32> to vector<1x256xf32>
    %add3A_87 = vector.broadcast %broadcast_in_dim3A_86 : vector<1x256xf32> to vector<1000x256xf32>
    %add3A_88 = arith.addf %add3A_81, %add3A_87 : vector<1000x256xf32>
    %tanh3A = math.tanh %add3A_88 : vector<1000x256xf32>
    %mul3A_89 = arith.mulf %logistic3A_62, %get3A_1 : vector<1000x256xf32>
    %sub3A = arith.constant 1.000000e+00 : f32
    %sub3A_90 = vector.broadcast %sub3A : f32 to vector<1000x256xf32>
    %sub3A_91 = arith.subf %sub3A_90, %logistic3A_62 : vector<1000x256xf32>
    %mul3A_92 = arith.mulf %sub3A_91, %tanh3A : vector<1000x256xf32>
    %add3A_93 = arith.addf %mul3A_89, %mul3A_92 : vector<1000x256xf32>
    %swap3A = arith.constant 0 : index
    %swap3A_94 = arith.constant 0 : index
    %swap3A_95 = vector.load %arg13[%swap3A, %swap3A_94] : memref<1000x256xf32, #tpu.memory_space<vmem>>, vector<1000x256xf32>
    tpu.vector_store %arg13[%swap3A, %swap3A_94], %add3A_93 {strides = array<i32>} : memref<1000x256xf32, #tpu.memory_space<vmem>>, vector<1000x256xf32>,
    return
  }
  func.func @transform_0(%arg0: i32) -> (i32, i32, i32) {
    %c0_i32 = arith.constant 0 : i32
    %c0_i32_0 = arith.constant 0 : i32
    %c0_i32_1 = arith.constant 0 : i32
    return %c0_i32, %arg0, %c0_i32_0 : i32, i32, i32
  }
  func.func @transform_1(%arg0: i32) -> (i32, i32, i32) {
    %c1_i32 = arith.constant 1 : i32
    %c0_i32 = arith.constant 0 : i32
    %c0_i32_0 = arith.constant 0 : i32
    return %c1_i32, %arg0, %c0_i32 : i32, i32, i32
  }
  func.func @transform_2(%arg0: i32) -> (i32, i32) {
    %c0_i32 = arith.constant 0 : i32
    %c0_i32_0 = arith.constant 0 : i32
    return %arg0, %c0_i32 : i32, i32
  }
  func.func @transform_3(%arg0: i32) -> (i32, i32) {
    %c0_i32 = arith.constant 0 : i32
    %c0_i32_0 = arith.constant 0 : i32
    return %arg0, %c0_i32 : i32, i32
  }
  func.func @transform_4(%arg0: i32) -> (i32, i32) {
    %c0_i32 = arith.constant 0 : i32
    %c0_i32_0 = arith.constant 0 : i32
    %c0_i32_1 = arith.constant 0 : i32
    return %c0_i32, %c0_i32_0 : i32, i32
  }
  func.func @transform_5(%arg0: i32) -> (i32, i32) {
    %c0_i32 = arith.constant 0 : i32
    %c0_i32_0 = arith.constant 0 : i32
    %c0_i32_1 = arith.constant 0 : i32
    return %c0_i32, %c0_i32_0 : i32, i32
  }
  func.func @transform_6(%arg0: i32) -> (i32, i32) {
    %c0_i32 = arith.constant 0 : i32
    %c0_i32_0 = arith.constant 0 : i32
    %c0_i32_1 = arith.constant 0 : i32
    return %c0_i32, %c0_i32_0 : i32, i32
  }
  func.func @transform_7(%arg0: i32) -> (i32, i32) {
    %c0_i32 = arith.constant 0 : i32
    %c0_i32_0 = arith.constant 0 : i32
    %c0_i32_1 = arith.constant 0 : i32
    return %c0_i32, %c0_i32_0 : i32, i32
  }
  func.func @transform_8(%arg0: i32) -> (i32, i32) {
    %c0_i32 = arith.constant 0 : i32
    %c0_i32_0 = arith.constant 0 : i32
    %c0_i32_1 = arith.constant 0 : i32
    return %c0_i32, %c0_i32_0 : i32, i32
  }
  func.func @transform_9(%arg0: i32) -> (i32, i32) {
    %c0_i32 = arith.constant 0 : i32
    %c0_i32_0 = arith.constant 0 : i32
    %c0_i32_1 = arith.constant 0 : i32
    return %c0_i32, %c0_i32_0 : i32, i32
  }
  func.func @transform_10(%arg0: i32) -> (i32, i32) {
    %c0_i32 = arith.constant 0 : i32
    %c0_i32_0 = arith.constant 0 : i32
    %c0_i32_1 = arith.constant 0 : i32
    return %c0_i32, %c0_i32_0 : i32, i32
  }
  func.func @transform_11(%arg0: i32) -> (i32, i32) {
    %c0_i32 = arith.constant 0 : i32
    %c0_i32_0 = arith.constant 0 : i32
    %c0_i32_1 = arith.constant 0 : i32
    return %c0_i32, %c0_i32_0 : i32, i32
  }
  func.func @transform_12(%arg0: i32) -> (i32, i32) {
    %c0_i32 = arith.constant 0 : i32
    %c0_i32_0 = arith.constant 0 : i32
    return %arg0, %c0_i32 : i32, i32
  }
}

</mosaic_0001>

<sc_bundles>
// kernel: kernel.4.cloned.1.call-start
scs
__scs_entry_jumppad:
0x0: {  	(pc) =	sbr.rel $0x88, $3  }
0x1: {  	(tag) =	ssettag $0x0;
	lr =	simm.s32 $0x1  }
0x2: {  	[smem:$0x3F90] =	sst lr;
	_ =	strace $0xD0000000  }
0x3: {  	_ = 	snop  }
0x4: {  	_ = 	snop  }
0x5: {  	_ = 	snop  }
0x6: {  	_ = 	snop  }
0x7: {  	_ = 	snop  }
__scs_overlays_trampoline_lowered:
0x8: {  	[smem:$0x3F9F] =	sst s0  }
0x9: {  	[smem:$0x3FA0] =	sst s1  }
0xa: {  	[smem:$0x3FA1] =	sst s2  }
0xb: {  	[smem:$0x3FA2] =	sst s3  }
0xc: {  	[smem:$0x3FA3] =	sst s4  }
0xd: {  	[smem:$0x3FA4] =	sst s5  }
0xe: {  	[smem:$0x3FA5] =	sst s6  }
0xf: {  	[smem:$0x3FA6] =	sst s7  }
0x10: {  	[smem:$0x3FA7] =	sst s8  }
0x11: {  	[smem:$0x3FA8] =	sst s9;
	s0 =	simm.s32 @!p0 $0x0  }
0x12: {  	s1 =	sld [smem:$0x3F8E];
	s0 =	simm.s32 @p0 $0x1  }
0x13: {  	[smem:$0x3FA9] =	sst s0;
	s0 =	simm.s32 @!p1 $0x0  }
0x14: {  	s2 =	sld [smem:$0x3F8D];
	s0 =	simm.s32 @p1 $0x1  }
0x15: {  	[smem:$0x3FAA] =	sst s0;
	s0 =	simm.s32 @!p2 $0x0  }
0x16: {  	s3 =	sld [smem:$0x3FDB];
	s0 =	simm.s32 @p2 $0x1  }
0x17: {  	s4 =	simm.s32 $0x1BF5;
	[smem:$0x3FAC] =	sst s0  }
0x18: {  	s0 =	sld [smem:$0x3F8F];
	_ =	swait.ge [sflag:s4], $0x0  }
0x19: {  	s7 =	sld [smem:$0x3F90]  }
0x1a: {  	s8 =	sadd.s32 $0xFFFFE003, lr  }
0x1b: {  	s9 =	sadd.s32 $0xFFFFFEF7, lr;
	s5 =	simm.s32 $0xFFFFFFFF;
	p2 =	slt.u32 s8, $0xFFFFF086  }
0x1c: {  	p1 =	slt.u32 s9, $0xF7A;
	s5 =	simm.s32 @!p2 $0x0  }
0x1d: {  	s5 =	simm.s32 @p1 $0x1;
	p0 =	seq.s32 s7, s2  }
0x1e: {  	s7 =	smul.u32 @!p0 $0xF7A, s2;
	p2 =	seq.s32 @!p0 s5, $0x0  }
0x1f: {  	s9 =	smul.u32 $0xF7A, s1;
	s8 =	simm.s32 @!p0 $0x1BF5;
	p2 =	por !p2, p0  }
0x20: {  	[sflag:s8] =	ssyncset.s32 @!p0 $0xFFFFF086;
	s6 =	sadd.s32 @!p0 s3, s7;
	s7 =	simm.s32 @!p0 $0x108  }
0x21: {  	s3 =	sadd.s32 s3, s9;
	s6 =	sadd.s32 @!p0 $0x88, s6;
	s7 =	simm.s32 @p2 $0x1082  }
0x22: {  	[simem:s7], [sflag:s8] =	dma.local @!p0 [hbm:s6], $0xF7A  }
0x23: {  	s9 =	sor.u32 $0xD0000000, s2;
	s6 =	simm.s32 $0x108;
	_ =	swait.ge @!p0 [sflag:s8], $0x0  }
0x24: {  	s3 =	sadd.s32 $0x88, s3;
	s6 =	simm.s32 @!p1 $0x1082;
	[sflag:s4] =	ssyncset.s32 $0xFFFFF086  }
0x25: {  	[simem:s6], [sflag:s4] =	dma.local [hbm:s3], $0xF7A  }
0x26: {  	[smem:$0x3F90] =	sst s1;
	(tag) =	ssettag s2;
	_ =	strace s9  }
0x27: {  	s1 =	sld [smem:$0x3FA0]  }
0x28: {  	s2 =	sld [smem:$0x3FA1]  }
0x29: {  	s4 =	sld [smem:$0x3FA3]  }
0x2a: {  	p0 =	seq.s32 s5, $0x0;
	s5 =	sld [smem:$0x3FA4]  }
0x2b: {  	s6 =	sld [smem:$0x3FA5]  }
0x2c: {  	s7 =	sld [smem:$0x3FA6]  }
0x2d: {  	s3 =	simm.s32 $0x108;
	s8 =	sld [smem:$0x3FA7]  }
0x2e: {  	s3 =	simm.s32 @!p0 $0x1082;
	s9 =	sld [smem:$0x3FA8]  }
0x2f: {  	lr =	sadd.s32 s0, s3;
	s0 =	sld [smem:$0x3F9F]  }
0x30: {  	s3 =	sld [smem:$0x3FA2]  }
0x31: {  	[smem:$0x3FAB] =	sst s10  }
0x32: {  	s10 =	sld [smem:$0x3FA9];
	_ =	sdelay $0x3  }
0x33: {  	p0 =	seq.s32 s10, $0x1;
	s10 =	sld [smem:$0x3FAB];
	_ =	sdelay $0x3  }
0x34: {  	[smem:$0x3FAB] =	sst s10  }
0x35: {  	s10 =	sld [smem:$0x3FAA];
	_ =	sdelay $0x3  }
0x36: {  	p1 =	seq.s32 s10, $0x1;
	s10 =	sld [smem:$0x3FAB];
	_ =	sdelay $0x3  }
0x37: {  	[smem:$0x3FAB] =	sst s10  }
0x38: {  	s10 =	sld [smem:$0x3FAC]  }
0x39: {  	_ = 	snop;
	(pc) =	sbr.ind lr, $3  }
0x3a: {  	_ = 	snop  }
0x3b: {  	_ = 	snop  }
0x3c: {  	p2 =	seq.s32 s10, $0x1;
	s10 =	sld [smem:$0x3FAB]  }
0x3d: {  	_ =	shalt  }
0x3e: {  	_ =	shalt  }
0x3f: {  	_ =	shalt  }
0x40: {  	_ =	shalt  }
0x41: {  	_ =	shalt  }
0x42: {  	_ =	shalt  }
0x43: {  	_ =	shalt  }
0x44: {  	_ =	shalt  }
0x45: {  	_ =	shalt  }
0x46: {  	_ =	shalt  }
0x47: {  	_ =	shalt  }
0x48: {  	_ =	shalt  }
0x49: {  	_ =	shalt  }
0x4a: {  	_ =	shalt  }
0x4b: {  	_ =	shalt  }
0x4c: {  	_ =	shalt  }
0x4d: {  	_ =	shalt  }
0x4e: {  	_ =	shalt  }
0x4f: {  	_ =	shalt  }
0x50: {  	_ =	shalt  }
0x51: {  	_ =	shalt  }
0x52: {  	_ =	shalt  }
0x53: {  	_ =	shalt  }
0x54: {  	_ =	shalt  }
0x55: {  	_ =	shalt  }
0x56: {  	_ =	shalt  }
0x57: {  	_ =	shalt  }
0x58: {  	_ =	shalt  }
0x59: {  	_ =	shalt  }
0x5a: {  	_ =	shalt  }
0x5b: {  	_ =	shalt  }
0x5c: {  	_ =	shalt  }
0x5d: {  	_ =	shalt  }
0x5e: {  	_ =	shalt  }
0x5f: {  	_ =	shalt  }
0x60: {  	_ =	shalt  }
0x61: {  	_ =	shalt  }
0x62: {  	_ =	shalt  }
0x63: {  	_ =	shalt  }
0x64: {  	_ =	shalt  }
0x65: {  	_ =	shalt  }
0x66: {  	_ =	shalt  }
0x67: {  	_ =	shalt  }
0x68: {  	_ =	shalt  }
0x69: {  	_ =	shalt  }
0x6a: {  	_ =	shalt  }
0x6b: {  	_ =	shalt  }
0x6c: {  	_ =	shalt  }
0x6d: {  	_ =	shalt  }
0x6e: {  	_ =	shalt  }
0x6f: {  	_ =	shalt  }
0x70: {  	_ =	shalt  }
0x71: {  	_ =	shalt  }
0x72: {  	_ =	shalt  }
0x73: {  	_ =	shalt  }
0x74: {  	_ =	shalt  }
0x75: {  	_ =	shalt  }
0x76: {  	_ =	shalt  }
0x77: {  	_ =	shalt  }
0x78: {  	_ =	shalt  }
0x79: {  	_ =	shalt  }
0x7a: {  	_ =	shalt  }
0x7b: {  	_ =	shalt  }
0x7c: {  	_ =	shalt  }
0x7d: {  	_ =	shalt  }
0x7e: {  	_ =	shalt  }
0x7f: {  	_ =	shalt  }
0x80: {  	_ =	shalt  }
0x81: {  	_ =	shalt  }
0x82: {  	_ =	shalt  }
0x83: {  	_ =	shalt  }
0x84: {  	_ =	shalt  }
0x85: {  	_ =	shalt  }
0x86: {  	_ =	shalt  }
0x87: {  	_ =	shalt  }
.Lfunc_end0:
.L_simem_size_0:
called_computation_lowered:
.L_overlay_start_0:
0x88: {  	s2 =	sld [smem:$0x3FD9]  }
0x89: {  	s3 =	sld [smem:$0x3FFE];
	_ =	sdelay $0x1  }
0x8a: {  	s1 =	srdreg.scid  }
0x8b: {  	s0 =	sand.u32 $0x1, s1  }
0x8c: {  	s17 =	sshll.u32 s0, $0xA;
	s2 =	sadd.s32 s3, s2  }
0x8d: {  	s2 =	sadd.s32 s2, s17  }
0x8e: {  	[smem:$0x3FB7] =	sst s2  }
0x8f: {  	_ = 	snop  }
0x90: {  	s2 =	sld [smem:$0x3FD0];
	(tm) =	ssettm $0x1  }
0x91: {  	s18 =	sld [smem:$0x3FFB];
	_ =	sdelay $0x3  }
0x92: {  	_ =	strace s18  }
0x93: {  	s3 =	sld [smem:$0x3FFC];
	_ =	sdelay $0x3  }
0x94: {  	_ =	strace s3  }
0x95: {  	s3 =	sld [smem:$0x3FFD];
	_ =	sdelay $0x3  }
0x96: {  	_ =	strace s3  }
0x97: {  	_ =	strace $0x8FFFFFFF  }
0x98: {  	s19 =	sld [smem:$0x3FDB];
	_ =	sdelay $0x1  }
0x99: {  	s4 =	simm.s32 $_scs_section_size  }
0x9a: {  	s5 =	simm.s32 $_size__tile_overlayer_lowered;
	s6 =	simm.s32 $_tile_overlayer_lowered  }
0x9b: {  	s22 =	simm.s32 $0x1BFF;
	s21 =	sshll.u32 s6, $0x1;
	s3 =	sadd.s32 s4, s19  }
0x9c: {  	s7 =	simm.s32 $0x0;
	s20 =	sshll.u32 s5, $0x1;
	s5 =	sadd.s32 s21, s3  }
0x9d: {  	[timem:s7], [sflag:s22] =	dma.local [hbm:s5], s20  }
0x9e: {  	_ =	swait.ge [sflag:s22], s20  }
0x9f: {  	s4 =	ssub.s32 $0x0, s20;
	[sflag:s22] =	ssyncset.done $0x0  }
0xa0: {  	[sflag:s22] =	ssyncadd.s32 s4;
	_ =	sdelay $0x1  }
0xa1: {  	s23 =	simm.s32 $0x1B8B  }
0xa2: {  	_ =	swait.ge [sflag:s23], $0x1  }
0xa3: {  	[sflag:s23] =	ssyncset.done $0x0  }
0xa4: {  	s25 =	simm.s32 $0x1B8E;
	s24 =	sld [smem:$0x3FFE];
	[sflag:s23] =	ssyncadd.s32 $0xFFFFFFFF  }
0xa5: {  	s26 =	simm.s32 $execute0_lowered;
	[smem:$0x3FD2] =	sst s25  }
0xa6: {  	s5 =	sshll.u32 s26, $0x1;
	_ =	strace $0x80000046;
	[dreg:$0x1] =	wrdreg $0xFFFFFFFF  }
0xa7: {  	s28 =	simm.s32 $_size_execute0_lowered;
	s3 =	sadd.s32 s3, s5;
	[dreg:$0x0] =	wrdreg $0x0  }
0xa8: {  	s5 =	sshll.u32 s28, $0x1;
	[dreg:$0x2] =	wrdreg s3  }
0xa9: {  	[dreg:$0x3] =	wrdreg s5  }
0xaa: {  	[dreg:$0x4] =	wrdreg $0xC0  }
0xab: {  	_ =	task [dreg:s7], $0x5FFFF  }
0xac: {  	[dreg:$0x1] =	wrdreg $0xFFFFFFFF  }
0xad: {  	[dreg:$0x0] =	wrdreg $0x60  }
0xae: {  	[dreg:$0x2] =	wrdreg s2  }
0xaf: {  	[dreg:$0x3] =	wrdreg s24  }
0xb0: {  	[dreg:$0x4] =	wrdreg $0xBF100  }
0xb1: {  	[dreg:$0x5] =	wrdreg $0x9  }
0xb2: {  	_ =	task.clear_ibuf [dreg:s7], $0x6FFFF;
	_ =	strace $0x90000046  }
0xb3: {  	s29 =	simm.s32 $0x9;
	_ =	strace $0x80000048  }
0xb4: {  	_ =	swait.ge [sflag:s29], $0x1  }
0xb5: {  	[sflag:s29] =	ssyncadd.s32 $0xFFFFFFFF  }
0xb6: {  	_ =	strace $0x90000048  }
0xb7: {  	_ =	sfence  }
0xb8: {  	s30 =	sld [smem:$0x0];
	_ =	sdelay $0x2  }
0xb9: {  	s31 =	sshll.u32 s1, $0xD;
	s1 =	sshrl.u32 s1, $0x2  }
0xba: {  	s3 =	sand.u32 $0x4000, s31;
	s1 =	sadd.s32 s1, s30  }
0xbb: {  	s0 =	sor.u32 s3, s0;
	s1 =	sshll.u32 s1, $0x11  }
0xbc: {  	s0 =	sor.u32 s1, s0  }
0xbd: {  	s0 =	sadd.s32 $0x8F2B, s0  }
0xbe: {  	[sflag:s0] =	ssyncadd.remote.s32 $0x1  }
0xbf: {  	_ =	sfence.sel $0xFFFF  }
0xc0: {  	[dreg:$0x0] =	wrdreg $0xFFFFFFFF;
	(pc) =	sbr.abs _section_cstart, $3  }
0xc1: {  	[dreg:$0x1] =	wrdreg $0xFFFFFFFF  }
0xc2: {  	_ =	task.clear_ibuf [dreg:s7], $0x2FFFF;
	_ =	strace $0x9FFFFFFF  }
0xc3: {  	(tm) =	ssettm $0x7FFFFFFF  }
tec
execute0_lowered:
.L_overlay_start_1:
0x0: {  	(tag) =	ssettag $0x1  }
0x1: {  	s1 =	rddreg [dreg:$0x0]  }
0x2: {  	s0 =	rddreg [dreg:$0x1]  }
0x3: {  	s3 =	rddreg [dreg:$0x2]  }
0x4: {  	s4 =	simm.s32 $0x0;
	s2 =	srdreg.scid;
	s12 =	stileid.u32  }
0x5: {  	s17 =	simm.s32 $0x1800;
	s18 =	simm.s32 $0x5;
	s19 =	simm.s32 $0x3F10  }
0x6: {  	s20 =	simm.s32 $0x800;
	s21 =	simm.s32 $0x1000;
	s28 =	simm.s32 $0x4  }
0x7: {  	s29 =	simm.s32 $0x0;
	s30 =	simm.s32 $0x0;
	s8 =	smul.u32 $0x14000, s12  }
0x8: {  	[smem:$0x7FF] =	sst s4;
	s2 =	sand.u32 $0x1, s2;
	s10 =	smul.u32 $0x50000, s12  }
0x9: {  	s5 =	sadd.s32 $0x7C00, s0;
	s6 =	sadd.s32 $0xCC00, s0;
	s14 =	smul.u32 $0x2800, s12  }
0xa: {  	s7 =	sadd.s32 $0x2600, s0;
	s11 =	sadd.s32 $0x7600, s0;
	s9 =	smul.u32 $0x140000, s2  }
0xb: {  	_ =	strace $0x80000047;
	[dreg:$0x4] =	wrdreg s11;
	s22 =	ssub.s32 $0x2, s2  }
0xc: {  	s10 =	sshrl.u32 s10, $0x2;
	s23 =	sshrl.u32 s22, $0x1;
	s9 =	sadd.s32 s8, s9  }
0xd: {  	s10 =	sadd.s32 s10, s3;
	s11 =	ssub.s32 s22, s23;
	s22 =	simm.s32 $0x80  }
0xe: {  	s23 =	simm.s32 $0x7F10;
	s9 =	sshrl.u32 s9, $0x3;
	s24 =	sadd.s32 $0x4000, s10  }
0xf: {  	s25 =	sadd.s32 $0x8000, s10;
	s26 =	sadd.s32 $0xC000, s10;
	[dreg:$0x5] =	wrdreg s24  }
0x10: {  	s31 =	sadd.s32 $0x10000, s10;
	s16 =	smax.u32 s11, $0x1;
	[dreg:$0x6] =	wrdreg s25  }
0x11: {  	s0 =	sadd.s32 s9, s0;
	s9 =	sadd.s32 s8, s3;
	[dreg:$0x7] =	wrdreg s26  }
0x12: {  	[dreg:$0x8] =	wrdreg s31;
	s24 =	simm.s32 $0x1;
	s0 =	sadd.s32 $0x11C00, s0  }
0x13: {  	v1 =	vimm.f32 $0.0e+00;
	v0 =	vmov s2;
	s25 =	simm.s32 $0x2;
	s26 =	simm.s32 $0x3;
	[dreg:$0x9] =	wrdreg s0  }
.LBB2_1:
0x14: {  	s0 =	rddreg [dreg:$0x4]  }
0x15: {  	[tilespmem:s17], [sflag:$0x5] =	stream.linear.gather [hbm4b:s0+s4], $0x2710, $0x38;
	[tilespmem:$0x1FF10] =	vst v63  }
0x16: {  	s31 =	sand.u32 $0xFE00, s4;
	s2 =	sand.u32 $0x70, s4;
	_ =	swait.ge [sflag:s18], $0x2710  }
0x17: {  	s8 =	sshrl.u32 s31, $0x2;
	s0 =	simm.s32 $0x40;
	[sflag:s18] =	ssyncset.done $0x0  }
0x18: {  	s8 =	sor.u32 s2, s8;
	s2 =	simm.s32 $0x0;
	[sflag:s18] =	ssyncadd.s32 $0xFFFFD8F0  }
.LBB2_2:
0x19: {  	p0 =	sne.s32 s0, $0xFFC0  }
0x1a: {  	[tilespmem:s8+$0x3F10] =	vst v1;
	s2 =	sadd.s32 $0x10, s2;
	s8 =	smov.u32 s0;
	s0 =	sadd.s32 $0x40, s0  }
.Ltmp0:
0x1b: {  	(pc) =	sbr.rel @p0 .LBB2_2-.Ltmp0, $4  }
0x1c: {  	_ = 	snop  }
0x1d: {  	s8 =	sand.u32 $0xFE00, s8  }
0x1e: {  	s10 =	sand.u32 $0x70, s2;
	s8 =	sshrl.u32 s8, $0x2  }
0x1f: {  	s8 =	sor.u32 s10, s8  }
0x20: {  	[tilespmem:s8+$0x3F10] =	vst v1  }
0x21: {  	[spmem:s9] =	stream.linear.scatter [tilespmem:s19], [sflag:$0x5], $0x4000, $0x38;
	[tilespmem:$0x1FF10] =	vst v63  }
0x22: {  	_ =	swait.ge [sflag:s18], $0x4000  }
0x23: {  	[sflag:s18] =	ssyncset.done $0x0  }
0x24: {  	s0 =	rddreg [dreg:$0x5];
	[sflag:s18] =	ssyncadd.s32 $0xFFFFC000  }
0x25: {  	[spmem:s0] =	stream.linear.scatter [tilespmem:s19], [sflag:$0x5], $0x4000, $0x38;
	[tilespmem:$0x1FF10] =	vst v63  }
0x26: {  	_ =	swait.ge [sflag:s18], $0x4000  }
0x27: {  	[sflag:s18] =	ssyncset.done $0x0  }
0x28: {  	s12 =	rddreg [dreg:$0x6];
	[sflag:s18] =	ssyncadd.s32 $0xFFFFC000  }
0x29: {  	[spmem:s12] =	stream.linear.scatter [tilespmem:s19], [sflag:$0x5], $0x4000, $0x38;
	[tilespmem:$0x1FF10] =	vst v63  }
0x2a: {  	_ =	swait.ge [sflag:s18], $0x4000  }
0x2b: {  	[sflag:s18] =	ssyncset.done $0x0  }
0x2c: {  	s13 =	rddreg [dreg:$0x7];
	[sflag:s18] =	ssyncadd.s32 $0xFFFFC000  }
0x2d: {  	[spmem:s13] =	stream.linear.scatter [tilespmem:s19], [sflag:$0x5], $0x4000, $0x38;
	[tilespmem:$0x1FF10] =	vst v63  }
0x2e: {  	_ =	swait.ge [sflag:s18], $0x4000  }
0x2f: {  	[sflag:s18] =	ssyncset.done $0x0  }
0x30: {  	s15 =	rddreg [dreg:$0x8];
	[sflag:s18] =	ssyncadd.s32 $0xFFFFC000  }
0x31: {  	[spmem:s15] =	stream.linear.scatter [tilespmem:s19], [sflag:$0x5], $0x4000, $0x38;
	[tilespmem:$0x1FF10] =	vst v63  }
0x32: {  	_ =	swait.ge [sflag:s18], $0x4000  }
0x33: {  	[sflag:s18] =	ssyncset.done $0x0  }
0x34: {  	[sflag:s18] =	ssyncadd.s32 $0xFFFFC000  }
0x35: {  	s31 =	simm.s32 $0x0;
	[bflag:$0x0] =	sbarrier.arrive $0xFFFF  }
.LBB2_4:
0x36: {  	s0 =	sshll.u32 s31, $0xB  }
0x37: {  	s0 =	sadd.s32 s14, s0  }
0x38: {  	s0 =	sshrl.u32 s0, $0x3  }
0x39: {  	s2 =	sadd.s32 s5, s0  }
0x3a: {  	[tilespmem:s30], [sflag:$0x5] =	stream.linear.gather [hbm4b:s2+s30], $0x800, $0x38;
	[tilespmem:$0x1FF10] =	vst v63  }
0x3b: {  	_ =	swait.ge [sflag:s18], $0x800  }
0x3c: {  	[sflag:s18] =	ssyncset.done $0x0  }
0x3d: {  	s15 =	sadd.s32 s6, s0;
	[sflag:s18] =	ssyncadd.s32 $0xFFFFF800  }
0x3e: {  	[tilespmem:s20], [sflag:$0x5] =	stream.linear.gather [hbm4b:s15+s30], $0x800, $0x38;
	[tilespmem:$0x1FF10] =	vst v63  }
0x3f: {  	_ =	swait.ge [sflag:s18], $0x800  }
0x40: {  	[sflag:s18] =	ssyncset.done $0x0  }
0x41: {  	s0 =	sadd.s32 s7, s0;
	[sflag:s18] =	ssyncadd.s32 $0xFFFFF800  }
0x42: {  	[tilespmem:s21], [sflag:$0x5] =	stream.linear.gather [hbm4b:s0+s30], $0x800, $0x38;
	[tilespmem:$0x1FF10] =	vst v63  }
0x43: {  	_ =	swait.ge [sflag:s18], $0x800  }
0x44: {  	[sflag:s18] =	ssyncset.done $0x0  }
0x45: {  	s0 =	simm.s32 $0x0;
	[sflag:s18] =	ssyncadd.s32 $0xFFFFF800  }
0x46: {  	v3 =	vld [tilespmem:s0+$0x0];
	_ =	sdelay $0x5  }
0x47: {  	v4 =	vshll.u32 v3, $0x1  }
0x48: {  	v2 =	vld [tilespmem:s0+$0x1000];
	v4 =	vor.u32 v0, v4  }
0x49: {  	s8 =	simm.s32 $0x80;
	s2 =	simm.s32 $0x10;
	v3 =	vld.idx.msk [tilespmem:v3+s17+$0x0], $0xffff;
	[tilespmem:s0+$0x0] =	vst v4  }
.LBB2_5:
0x4a: {  	p0 =	sne.s32 s8, $0x1FC0;
	v4 =	vld [tilespmem:s2+$0x0];
	_ =	sdelay $0x3  }
.Ltmp1:
0x4b: {  	(pc) =	sbr.rel @p0 .LBB2_5-.Ltmp1, $4  }
0x4c: {  	v3 =	vmul.f32 v3, v2;
	v5 =	vshll.u32 v4, $0x1  }
0x4d: {  	v5 =	vor.u32 v0, v5  }
0x4e: {  	v2 =	vld [tilespmem:s2+$0x1000];
	[tilespmem:s0+$0x1000] =	vst v3;
	s0 =	smov.u32 s2  }
0x4f: {  	s2 =	sshra.s32 s8, $0x2;
	s8 =	sadd.s32 $0x40, s8;
	v3 =	vld.idx.msk [tilespmem:v4+s17+$0x0], $0xffff;
	[tilespmem:s0+$0x0] =	vst v5  }
0x50: {  	v4 =	vld [tilespmem:s2+$0x0];
	_ =	sdelay $0x6  }
0x51: {  	v5 =	vld [tilespmem:s2+$0x1000]  }
0x52: {  	v6 =	vld.idx.msk [tilespmem:v4+s17+$0x0], $0xffff;
	_ =	sdelay $0x2  }
0x53: {  	v2 =	vmul.f32 v3, v2  }
0x54: {  	v3 =	vshll.u32 v4, $0x1  }
0x55: {  	v3 =	vor.u32 v0, v3;
	[tilespmem:s0+$0x1000] =	vst v2;
	v2 =	vmul.f32 v6, v5  }
0x56: {  	[tilespmem:s2+$0x0] =	vst v3  }
0x57: {  	s0 =	simm.s32 $0x0;
	[tilespmem:s2+$0x1000] =	vst v2;
	s2 =	simm.s32 $0x0  }
.LBB2_7:
0x58: {  	s10 =	sshll.u32 s2, $0x8;
	v2 =	vmov s0;
	s8 =	simm.s32 $0x1  }
0x59: {  	s15 =	sshllo.u32 s2, $0x1;
	v3 =	vmov s10;
	v2 =	vand.u32 $0x7E, v2;
	v4 =	vmov s8  }
0x5a: {  	[tilespmem:s19], [sflag:$0x1] =	stream.indirect.gather [hbm4b:s1+s22], $0x80, s10, s22, $0xb8;
	v2 =	vor.u32 v3, v2;
	v4 =	vand.u32 $0x7F, v4;
	[tilespmem:$0x1FF10] =	vst v63  }
0x5b: {  	s8 =	sshll.u32 s15, $0x7;
	v2 =	vbroadcast v2, $0x0;
	v4 =	vor.u32 v3, v4  }
0x5c: {  	[tilespmem:s23], [sflag:$0x2] =	stream.indirect.gather [hbm4b:s1+s22], $0x80, s8, s22, $0xb8;
	v5 =	vbroadcast v4, $0x0;
	[tilespmem:$0x1FF10] =	vst v63  }
0x5d: {  	_ =	swait.ge [sflag:s24], $0x4000  }
0x5e: {  	[sflag:s24] =	ssyncset.done $0x0  }
0x5f: {  	s11 =	simm.s32 $0x3F90;
	[sflag:s24] =	ssyncadd.s32 $0xFFFFC000  }
0x60: {  	v6 =	vld [tilespmem:s11+$0x70]  }
0x61: {  	v4 =	vld.idx.msk [tilespmem:v2+s21+$0x0], $0xffff  }
0x62: {  	v2 =	vld.idx.msk [tilespmem:v5+s21+$0x0], $0xffff  }
0x63: {  	v8 =	vld [tilespmem:s11+$0xFFFFFF80]  }
0x64: {  	v10 =	vld [tilespmem:s11+$0xFFFFFF90]  }
0x65: {  	v9 =	vld [tilespmem:s11+$0xFFFFFFA0]  }
0x66: {  	v7 =	vld [tilespmem:s11+$0xFFFFFFB0]  }
0x67: {  	v5 =	vld [tilespmem:s11+$0xFFFFFFC0];
	v13 =	vmul.f32 v6, v2  }
0x68: {  	s12 =	simm.s32 $0x2;
	v11 =	vmul.f32 v8, v4;
	v6 =	vld [tilespmem:s11+$0xFFFFFFD0]  }
0x69: {  	s13 =	simm.s32 $0x4;
	v12 =	vmov s12;
	s15 =	simm.s32 $0x3;
	s12 =	simm.s32 $0x3F90;
	v10 =	vmul.f32 v10, v4;
	v8 =	vld [tilespmem:s11+$0xFFFFFFE0];
	[tilespmem:s11+$0x70] =	vst v13  }
.LBB2_8:
0x6a: {  	p0 =	slt.u32 s13, $0x7E;
	v12 =	vand.u32 $0x7E, v12;
	v13 =	vmov s15;
	[tilespmem:s11+$0xFFFFFF80] =	vst v11;
	v9 =	vmul.f32 v9, v4;
	v11 =	vld [tilespmem:s11+$0xFFFFFFF0]  }
0x6b: {  	v12 =	vor.u32 v3, v12;
	v13 =	vand.u32 $0x7F, v13;
	[tilespmem:s11+$0xFFFFFF90] =	vst v10;
	v7 =	vmul.f32 v7, v4;
	v10 =	vld [tilespmem:s11+$0x0]  }
0x6c: {  	v12 =	vbroadcast v12, $0x0;
	v13 =	vor.u32 v3, v13;
	[tilespmem:s11+$0xFFFFFFA0] =	vst v9;
	v5 =	vmul.f32 v5, v4;
	v9 =	vld [tilespmem:s11+$0x10]  }
0x6d: {  	v13 =	vbroadcast v13, $0x0;
	[tilespmem:s11+$0xFFFFFFB0] =	vst v7;
	v6 =	vmul.f32 v6, v4;
	v7 =	vld [tilespmem:s11+$0x20]  }
0x6e: {  	[tilespmem:s11+$0xFFFFFFC0] =	vst v5;
	v5 =	vmul.f32 v8, v4;
	v8 =	vld [tilespmem:s11+$0x30]  }
0x6f: {  	[tilespmem:s11+$0xFFFFFFD0] =	vst v6;
	v4 =	vmul.f32 v11, v4;
	v6 =	vld [tilespmem:s11+$0x40]  }
0x70: {  	[tilespmem:s11+$0xFFFFFFE0] =	vst v5;
	v5 =	vmul.f32 v10, v2;
	v10 =	vld [tilespmem:s11+$0x50]  }
0x71: {  	[tilespmem:s11+$0xFFFFFFF0] =	vst v4;
	v9 =	vmul.f32 v9, v2;
	v11 =	vld [tilespmem:s11+$0x60]  }
0x72: {  	v4 =	vld.idx.msk [tilespmem:v12+s21+$0x0], $0xffff;
	[tilespmem:s11+$0x0] =	vst v5;
	v5 =	vmul.f32 v7, v2  }
0x73: {  	s11 =	sadd.s32 $0x100, s11;
	v12 =	vld.idx.msk [tilespmem:v13+s21+$0x0], $0xffff;
	[tilespmem:s12+$0x10] =	vst v9;
	v7 =	vmul.f32 v8, v2  }
0x74: {  	v8 =	vld [tilespmem:s11+$0x70];
	[tilespmem:s12+$0x20] =	vst v5;
	v5 =	vmul.f32 v6, v2  }
0x75: {  	v6 =	vld [tilespmem:s11+$0xFFFFFF80];
	[tilespmem:s12+$0x30] =	vst v7;
	v7 =	vmul.f32 v10, v2  }
0x76: {  	v10 =	vld [tilespmem:s11+$0xFFFFFF90];
	[tilespmem:s12+$0x40] =	vst v5;
	v11 =	vmul.f32 v11, v2  }
.Ltmp2:
0x77: {  	v9 =	vld [tilespmem:s11+$0xFFFFFFA0];
	[tilespmem:s12+$0x50] =	vst v7;
	(pc) =	sbr.rel @p0 .LBB2_8-.Ltmp2, $4  }
0x78: {  	v7 =	vld [tilespmem:s11+$0xFFFFFFB0];
	[tilespmem:s12+$0x60] =	vst v11;
	s12 =	smov.u32 s11  }
0x79: {  	v2 =	vmov v12;
	v5 =	vld [tilespmem:s11+$0xFFFFFFC0];
	v13 =	vmul.f32 v8, v12  }
0x7a: {  	v11 =	vmul.f32 v6, v4;
	v6 =	vld [tilespmem:s11+$0xFFFFFFD0]  }
0x7b: {  	s15 =	sadd.s32 $0x1, s13;
	v12 =	vmov s13;
	s13 =	sadd.s32 $0x2, s13;
	v10 =	vmul.f32 v10, v4;
	v8 =	vld [tilespmem:s11+$0xFFFFFFE0];
	[tilespmem:s11+$0x70] =	vst v13  }
0x7c: {  	[tilespmem:s11+$0xFFFFFF80] =	vst v11;
	v11 =	vand.u32 $0x7E, v12;
	v12 =	vmov s15;
	v13 =	vld [tilespmem:s11+$0xFFFFFFF0]  }
0x7d: {  	v14 =	vld [tilespmem:s11+$0x0];
	v11 =	vor.u32 v3, v11;
	v12 =	vand.u32 $0x7F, v12  }
0x7e: {  	v9 =	vmul.f32 v9, v4;
	v15 =	vld [tilespmem:s11+$0x20];
	v11 =	vbroadcast v11, $0x0;
	v3 =	vor.u32 v3, v12  }
0x7f: {  	[tilespmem:s11+$0xFFFFFF90] =	vst v10;
	v7 =	vmul.f32 v7, v4;
	v10 =	vld [tilespmem:s11+$0x30];
	v3 =	vbroadcast v3, $0x0  }
0x80: {  	v12 =	vld [tilespmem:s11+$0x10];
	[tilespmem:s11+$0xFFFFFFA0] =	vst v9;
	v5 =	vmul.f32 v5, v4  }
0x81: {  	v9 =	vld [tilespmem:s11+$0x40];
	[tilespmem:s11+$0xFFFFFFB0] =	vst v7;
	v6 =	vmul.f32 v6, v4  }
0x82: {  	v7 =	vld [tilespmem:s11+$0x50];
	[tilespmem:s11+$0xFFFFFFC0] =	vst v5;
	v5 =	vmul.f32 v8, v4  }
0x83: {  	v8 =	vld [tilespmem:s11+$0x60];
	[tilespmem:s11+$0xFFFFFFD0] =	vst v6;
	v4 =	vmul.f32 v13, v4  }
0x84: {  	[tilespmem:s11+$0xFFFFFFE0] =	vst v5;
	v5 =	vmul.f32 v14, v2;
	v6 =	vld.idx.msk [tilespmem:v11+s21+$0x0], $0xffff  }
0x85: {  	s13 =	sadd.s32 $0x100, s11;
	[tilespmem:s11+$0xFFFFFFF0] =	vst v4;
	v11 =	vld.idx.msk [tilespmem:v3+s21+$0x0], $0xffff;
	v3 =	vmul.f32 v12, v2  }
0x86: {  	v4 =	vld [tilespmem:s13+$0x70];
	[tilespmem:s11+$0x0] =	vst v5;
	v5 =	vmul.f32 v15, v2  }
0x87: {  	v12 =	vld [tilespmem:s13+$0xFFFFFF80];
	[tilespmem:s12+$0x10] =	vst v3;
	v3 =	vmul.f32 v10, v2  }
0x88: {  	[tilespmem:s12+$0x20] =	vst v5;
	v5 =	vmul.f32 v9, v2;
	v10 =	vld [tilespmem:s13+$0xFFFFFF90]  }
0x89: {  	v9 =	vld [tilespmem:s13+$0xFFFFFFA0];
	[tilespmem:s12+$0x30] =	vst v3;
	v3 =	vmul.f32 v7, v2  }
0x8a: {  	[tilespmem:s12+$0x40] =	vst v5;
	v7 =	vld [tilespmem:s13+$0xFFFFFFB0];
	v2 =	vmul.f32 v8, v2  }
0x8b: {  	v5 =	vld [tilespmem:s13+$0xFFFFFFC0];
	[tilespmem:s12+$0x50] =	vst v3;
	v3 =	vmul.f32 v4, v11  }
0x8c: {  	v4 =	vld [tilespmem:s13+$0xFFFFFFD0];
	[tilespmem:s12+$0x60] =	vst v2;
	v2 =	vmul.f32 v12, v6  }
0x8d: {  	v8 =	vld [tilespmem:s13+$0xFFFFFFE0];
	v10 =	vmul.f32 v10, v6;
	[tilespmem:s13+$0x70] =	vst v3  }
0x8e: {  	v3 =	vld [tilespmem:s13+$0xFFFFFFF0];
	[tilespmem:s13+$0xFFFFFF80] =	vst v2;
	v2 =	vmul.f32 v9, v6  }
0x8f: {  	v9 =	vld [tilespmem:s13+$0x0];
	[tilespmem:s13+$0xFFFFFF90] =	vst v10;
	v7 =	vmul.f32 v7, v6  }
0x90: {  	v10 =	vld [tilespmem:s13+$0x10];
	[tilespmem:s13+$0xFFFFFFA0] =	vst v2;
	v2 =	vmul.f32 v5, v6  }
0x91: {  	v5 =	vld [tilespmem:s13+$0x20];
	[tilespmem:s13+$0xFFFFFFB0] =	vst v7;
	v4 =	vmul.f32 v4, v6  }
0x92: {  	v7 =	vld [tilespmem:s13+$0x30];
	[tilespmem:s13+$0xFFFFFFC0] =	vst v2;
	v2 =	vmul.f32 v8, v6  }
0x93: {  	v8 =	vld [tilespmem:s13+$0x40];
	[tilespmem:s13+$0xFFFFFFD0] =	vst v4;
	v3 =	vmul.f32 v3, v6  }
0x94: {  	v4 =	vld [tilespmem:s13+$0x50];
	[tilespmem:s13+$0xFFFFFFE0] =	vst v2;
	v2 =	vmul.f32 v9, v11  }
0x95: {  	v6 =	vld [tilespmem:s13+$0x60];
	[tilespmem:s13+$0xFFFFFFF0] =	vst v3;
	v3 =	vmul.f32 v10, v11  }
0x96: {  	[tilespmem:s13+$0x0] =	vst v2;
	v2 =	vmul.f32 v5, v11  }
0x97: {  	s15 =	simm.s32 $0x0;
	[tilespmem:s13+$0x10] =	vst v3;
	v3 =	vmul.f32 v7, v11  }
0x98: {  	v5 =	vmov s15;
	[tilespmem:s13+$0x20] =	vst v2;
	v2 =	vmul.f32 v8, v11  }
0x99: {  	s12 =	simm.s32 $0x1;
	v5 =	vand.u32 $0x7E, v5;
	v4 =	vmul.f32 v4, v11;
	[tilespmem:s13+$0x30] =	vst v3;
	v3 =	vmov s8  }
0x9a: {  	v7 =	vmov s12;
	[tilespmem:s13+$0x40] =	vst v2;
	v2 =	vmul.f32 v6, v11;
	v5 =	vor.u32 v3, v5  }
0x9b: {  	v6 =	vand.u32 $0x7F, v7;
	[tilespmem:s13+$0x50] =	vst v4;
	v4 =	vbroadcast v5, $0x0  }
0x9c: {  	s10 =	sadd.s32 $0x800, s10;
	v5 =	vor.u32 v3, v6;
	[tilespmem:s13+$0x60] =	vst v2  }
0x9d: {  	v2 =	vbroadcast v5, $0x0;
	[spmem:s3] =	stream.indirect.scatter.add.f32 [tilespmem:s19], [sflag:$0x3], $0x80, s10, s22, $0xb8;
	[tilespmem:$0x1FF10] =	vst v63  }
0x9e: {  	_ =	swait.ge [sflag:s25], $0x4000  }
0x9f: {  	[sflag:s25] =	ssyncset.done $0x0  }
0xa0: {  	[sflag:s25] =	ssyncadd.s32 $0xFFFFC000  }
0xa1: {  	s10 =	simm.s32 $0x7F90;
	v4 =	vld.idx.msk [tilespmem:v4+s21+$0x0], $0xffff  }
0xa2: {  	v6 =	vld [tilespmem:s10+$0x70]  }
0xa3: {  	v2 =	vld.idx.msk [tilespmem:v2+s21+$0x0], $0xffff  }
0xa4: {  	v8 =	vld [tilespmem:s10+$0xFFFFFF80]  }
0xa5: {  	v10 =	vld [tilespmem:s10+$0xFFFFFF90]  }
0xa6: {  	v9 =	vld [tilespmem:s10+$0xFFFFFFA0]  }
0xa7: {  	v7 =	vld [tilespmem:s10+$0xFFFFFFB0]  }
0xa8: {  	v5 =	vld [tilespmem:s10+$0xFFFFFFC0];
	v13 =	vmul.f32 v6, v2  }
0xa9: {  	s15 =	simm.s32 $0x2;
	v11 =	vmul.f32 v8, v4;
	v6 =	vld [tilespmem:s10+$0xFFFFFFD0]  }
0xaa: {  	s11 =	simm.s32 $0x7F90;
	v12 =	vmov s15;
	s12 =	simm.s32 $0x4;
	s13 =	simm.s32 $0x3;
	v10 =	vmul.f32 v10, v4;
	v8 =	vld [tilespmem:s10+$0xFFFFFFE0];
	[tilespmem:s10+$0x70] =	vst v13  }
.LBB2_10:
0xab: {  	p0 =	slt.u32 s12, $0x7E;
	v12 =	vand.u32 $0x7E, v12;
	v13 =	vmov s13;
	[tilespmem:s10+$0xFFFFFF80] =	vst v11;
	v9 =	vmul.f32 v9, v4;
	v11 =	vld [tilespmem:s10+$0xFFFFFFF0]  }
0xac: {  	v12 =	vor.u32 v3, v12;
	v13 =	vand.u32 $0x7F, v13;
	[tilespmem:s10+$0xFFFFFF90] =	vst v10;
	v7 =	vmul.f32 v7, v4;
	v10 =	vld [tilespmem:s10+$0x0]  }
0xad: {  	v12 =	vbroadcast v12, $0x0;
	v13 =	vor.u32 v3, v13;
	[tilespmem:s10+$0xFFFFFFA0] =	vst v9;
	v5 =	vmul.f32 v5, v4;
	v9 =	vld [tilespmem:s10+$0x10]  }
0xae: {  	v13 =	vbroadcast v13, $0x0;
	[tilespmem:s10+$0xFFFFFFB0] =	vst v7;
	v6 =	vmul.f32 v6, v4;
	v7 =	vld [tilespmem:s10+$0x20]  }
0xaf: {  	[tilespmem:s10+$0xFFFFFFC0] =	vst v5;
	v5 =	vmul.f32 v8, v4;
	v8 =	vld [tilespmem:s10+$0x30]  }
0xb0: {  	[tilespmem:s10+$0xFFFFFFD0] =	vst v6;
	v4 =	vmul.f32 v11, v4;
	v6 =	vld [tilespmem:s10+$0x40]  }
0xb1: {  	[tilespmem:s10+$0xFFFFFFE0] =	vst v5;
	v5 =	vmul.f32 v10, v2;
	v10 =	vld [tilespmem:s10+$0x50]  }
0xb2: {  	[tilespmem:s10+$0xFFFFFFF0] =	vst v4;
	v9 =	vmul.f32 v9, v2;
	v11 =	vld [tilespmem:s10+$0x60]  }
0xb3: {  	v4 =	vld.idx.msk [tilespmem:v12+s21+$0x0], $0xffff;
	[tilespmem:s10+$0x0] =	vst v5;
	v5 =	vmul.f32 v7, v2  }
0xb4: {  	s10 =	sadd.s32 $0x100, s10;
	v12 =	vld.idx.msk [tilespmem:v13+s21+$0x0], $0xffff;
	[tilespmem:s11+$0x10] =	vst v9;
	v7 =	vmul.f32 v8, v2  }
0xb5: {  	v8 =	vld [tilespmem:s10+$0x70];
	[tilespmem:s11+$0x20] =	vst v5;
	v5 =	vmul.f32 v6, v2  }
0xb6: {  	v6 =	vld [tilespmem:s10+$0xFFFFFF80];
	[tilespmem:s11+$0x30] =	vst v7;
	v7 =	vmul.f32 v10, v2  }
0xb7: {  	v10 =	vld [tilespmem:s10+$0xFFFFFF90];
	[tilespmem:s11+$0x40] =	vst v5;
	v11 =	vmul.f32 v11, v2  }
.Ltmp3:
0xb8: {  	v9 =	vld [tilespmem:s10+$0xFFFFFFA0];
	[tilespmem:s11+$0x50] =	vst v7;
	(pc) =	sbr.rel @p0 .LBB2_10-.Ltmp3, $4  }
0xb9: {  	v7 =	vld [tilespmem:s10+$0xFFFFFFB0];
	[tilespmem:s11+$0x60] =	vst v11;
	s11 =	smov.u32 s10  }
0xba: {  	v2 =	vmov v12;
	v5 =	vld [tilespmem:s10+$0xFFFFFFC0];
	v13 =	vmul.f32 v8, v12  }
0xbb: {  	v11 =	vmul.f32 v6, v4;
	v6 =	vld [tilespmem:s10+$0xFFFFFFD0]  }
0xbc: {  	s13 =	sadd.s32 $0x1, s12;
	v12 =	vmov s12;
	s12 =	sadd.s32 $0x2, s12;
	v10 =	vmul.f32 v10, v4;
	v8 =	vld [tilespmem:s10+$0xFFFFFFE0];
	[tilespmem:s10+$0x70] =	vst v13  }
0xbd: {  	v13 =	vld [tilespmem:s10+$0xFFFFFFF0]  }
0xbe: {  	v14 =	vld [tilespmem:s10+$0x0]  }
0xbf: {  	[tilespmem:s10+$0xFFFFFF80] =	vst v11;
	v27 =	vand.u32 $0x7E, v12;
	v9 =	vmul.f32 v9, v4;
	v29 =	vld [tilespmem:s10+$0x10]  }
0xc0: {  	v30 =	vld [tilespmem:s10+$0x20];
	v11 =	vor.u32 v3, v27;
	[tilespmem:s10+$0xFFFFFF90] =	vst v10;
	v7 =	vmul.f32 v7, v4  }
0xc1: {  	v31 =	vld [tilespmem:s10+$0x30];
	v11 =	vbroadcast v11, $0x0;
	[tilespmem:s10+$0xFFFFFFA0] =	vst v9;
	v5 =	vmul.f32 v5, v4  }
0xc2: {  	v32 =	vld [tilespmem:s10+$0x40];
	[tilespmem:s10+$0xFFFFFFB0] =	vst v7;
	v6 =	vmul.f32 v6, v4  }
0xc3: {  	v34 =	vld [tilespmem:s10+$0x50];
	[tilespmem:s10+$0xFFFFFFC0] =	vst v5;
	v33 =	vmul.f32 v8, v4  }
0xc4: {  	v36 =	vld [tilespmem:s10+$0x60];
	s12 =	sadd.s32 $0x100, s10;
	[tilespmem:s10+$0xFFFFFFD0] =	vst v6;
	v35 =	vmul.f32 v13, v4  }
0xc5: {  	v40 =	vld [tilespmem:s12+$0x70];
	v37 =	vmul.f32 v14, v2;
	[tilespmem:s10+$0xFFFFFFE0] =	vst v33  }
0xc6: {  	v28 =	vmov s13;
	v42 =	vld [tilespmem:s12+$0xFFFFFF80];
	v38 =	vmul.f32 v29, v2;
	[tilespmem:s10+$0xFFFFFFF0] =	vst v35  }
0xc7: {  	v12 =	vand.u32 $0x7F, v28;
	v39 =	vmul.f32 v30, v2;
	[tilespmem:s10+$0x0] =	vst v37;
	v11 =	vld.idx.msk [tilespmem:v11+s21+$0x0], $0xffff  }
0xc8: {  	v44 =	vld [tilespmem:s12+$0xFFFFFF90];
	v3 =	vor.u32 v3, v12;
	v41 =	vmul.f32 v31, v2;
	[tilespmem:s11+$0x10] =	vst v38  }
0xc9: {  	v47 =	vld [tilespmem:s12+$0xFFFFFFB0];
	v3 =	vbroadcast v3, $0x0;
	v43 =	vmul.f32 v32, v2;
	[tilespmem:s11+$0x20] =	vst v39  }
0xca: {  	v46 =	vld [tilespmem:s12+$0xFFFFFFA0];
	v45 =	vmul.f32 v34, v2;
	v2 =	vmul.f32 v36, v2;
	[tilespmem:s11+$0x30] =	vst v41  }
0xcb: {  	v50 =	vld [tilespmem:s12+$0xFFFFFFD0];
	[tilespmem:s11+$0x40] =	vst v43  }
0xcc: {  	v48 =	vld [tilespmem:s12+$0xFFFFFFC0];
	[tilespmem:s11+$0x60] =	vst v2;
	v2 =	vmul.f32 v42, v11  }
0xcd: {  	v52 =	vld [tilespmem:s12+$0xFFFFFFF0];
	[tilespmem:s11+$0x50] =	vst v45;
	v7 =	vmul.f32 v44, v11  }
0xce: {  	v51 =	vld [tilespmem:s12+$0xFFFFFFE0];
	v5 =	vmul.f32 v47, v11;
	[tilespmem:s12+$0xFFFFFF80] =	vst v2  }
0xcf: {  	v3 =	vld.idx.msk [tilespmem:v3+s21+$0x0], $0xffff;
	v2 =	vmul.f32 v46, v11;
	[tilespmem:s12+$0xFFFFFF90] =	vst v7  }
0xd0: {  	v53 =	vld [tilespmem:s12+$0x0];
	v55 =	vmul.f32 v50, v11;
	[tilespmem:s12+$0xFFFFFFB0] =	vst v5  }
0xd1: {  	v54 =	vld [tilespmem:s12+$0x10];
	[tilespmem:s12+$0xFFFFFFA0] =	vst v2;
	v2 =	vmul.f32 v48, v11  }
0xd2: {  	v56 =	vld [tilespmem:s12+$0x20];
	v58 =	vmul.f32 v52, v11;
	[tilespmem:s12+$0xFFFFFFD0] =	vst v55  }
0xd3: {  	v57 =	vld [tilespmem:s12+$0x30];
	[tilespmem:s12+$0xFFFFFFC0] =	vst v2;
	v2 =	vmul.f32 v51, v11  }
0xd4: {  	v59 =	vld [tilespmem:s12+$0x40];
	v49 =	vmul.f32 v40, v3;
	[tilespmem:s12+$0xFFFFFFF0] =	vst v58  }
0xd5: {  	v60 =	vld [tilespmem:s12+$0x50];
	[tilespmem:s12+$0xFFFFFFE0] =	vst v2;
	v2 =	vmul.f32 v53, v3  }
0xd6: {  	v61 =	vld [tilespmem:s12+$0x60];
	v4 =	vmul.f32 v54, v3;
	[tilespmem:s12+$0x70] =	vst v49  }
0xd7: {  	[tilespmem:s12+$0x0] =	vst v2;
	v2 =	vmul.f32 v56, v3  }
0xd8: {  	v62 =	vmul.f32 v57, v3;
	[tilespmem:s12+$0x10] =	vst v4  }
0xd9: {  	[tilespmem:s12+$0x20] =	vst v2;
	v2 =	vmul.f32 v59, v3  }
0xda: {  	v63 =	vmul.f32 v60, v3;
	[tilespmem:s12+$0x30] =	vst v62  }
0xdb: {  	[tilespmem:s12+$0x40] =	vst v2;
	v2 =	vmul.f32 v61, v3  }
0xdc: {  	[tilespmem:s12+$0x50] =	vst v63  }
0xdd: {  	s8 =	sadd.s32 $0x800, s8;
	s2 =	sadd.s32 $0x1, s2;
	[tilespmem:s12+$0x60] =	vst v2  }
0xde: {  	[spmem:s3] =	stream.indirect.scatter.add.f32 [tilespmem:s23], [sflag:$0x4], $0x80, s8, s22, $0xb8;
	[tilespmem:$0x1FF10] =	vst v63  }
0xdf: {  	p0 =	sne.s32 s2, $0x8;
	_ =	swait.ge [sflag:s26], $0x4000  }
.Ltmp4:
0xe0: {  	[sflag:s26] =	ssyncset.done $0x0;
	(pc) =	sbr.rel @p0 .LBB2_7-.Ltmp4, $4  }
0xe1: {  	[sflag:s26] =	ssyncadd.s32 $0xFFFFC000  }
0xe2: {  	_ =	swait.ge [sflag:s28], $0x4000  }
0xe3: {  	[sflag:s28] =	ssyncset.done $0x0  }
0xe4: {  	[sflag:s28] =	ssyncadd.s32 $0xFFFFC000  }
0xe5: {  	s31 =	sadd.s32 $0x1, s31  }
0xe6: {  	p0 =	sne.s32 s31, $0x5  }
.Ltmp5:
0xe7: {  	_ = 	snop;
	(pc) =	sbr.rel @p0 .LBB2_4-.Ltmp5, $1  }
0xe8: {  	_ =	sdelay $0x3  }
0xe9: {  	s0 =	stileid.u32;
	[bflag:$0x0] =	sbarrier.arrive $0xFFFF;
	s29 =	sadd.s32 $0x1, s29  }
0xea: {  	s2 =	sshrl.u32 s9, $0x3;
	s0 =	sshll.u32 s0, $0x6;
	p0 =	sne.s32 s29, s16  }
.Ltmp6:
0xeb: {  	s8 =	rddreg [dreg:$0x9];
	s0 =	sor.u32 $0x1C05, s0;
	(pc) =	sbr.rel @p0 .LBB2_1-.Ltmp6, $4  }
0xec: {  	[hbm:s8], [sflag:s0] =	dma.local [spmem:s2], $0x2800  }
0xed: {  	_ =	swait.ge [sflag:s18], $0x2800  }
0xee: {  	[sflag:s18] =	ssyncset.done $0x0  }
0xef: {  	[sflag:s18] =	ssyncadd.s32 $0xFFFFD800  }
0xf0: {  	_ =	sfence.sel $0x180000  }
0xf1: {  	[bflag:$0x0] =	sbarrier.arrive $0xFFFF  }
0xf2: {  	_ =	strace $0x90000047  }
0xf3: {  	s0 =	stileid.u32;
	[bflag:$0x2] =	sbarrier.arrive $0xFFFF  }
0xf4: {  	p0 =	sne.s32 s0, $0x0;
	s0 =	rddreg [dreg:$0x3]  }
0xf5: {  	s0 =	sadd.s32 @!p0 $0x100000, s0  }
0xf6: {  	[sflag:s0] =	ssyncadd.tile.s32 @!p0 $0x1;
	_ =	shalt  }
.Lfunc_end2:
_tile_overlayer_lowered:
.L_overlay_start_2:
0xf7: {  	(tag) =	ssettag $0x2  }
0xf8: {  	s0 =	rddreg [dreg:$0x0];
	s2 =	stileid.u32  }
0xf9: {  	s1 =	rddreg [dreg:$0x1];
	p0 =	sne.s32 s2, $0x0  }
0xfa: {  	s3 =	rddreg [dreg:$0x2];
	[bflag:$0x3] =	sbarrier.arrive $0xFFFF;
	s2 =	simm.s32 @!p0 $0x1C05  }
0xfb: {  	[timem:s3], [sflag:s2] =	dma.local @!p0 [hbm:s0], s1  }
0xfc: {  	s0 =	simm.s32 @!p0 $0x5  }
0xfd: {  	_ =	swait.ge @!p0 [sflag:s0], s1  }
0xfe: {  	s1 =	ssub.s32 @!p0 $0x0, s1;
	[sflag:s0] =	ssyncset.done @!p0 $0x0  }
0xff: {  	[sflag:s0] =	ssyncadd.s32 @!p0 s1  }
0x100: {  	[bflag:$0x3] =	sbarrier.arrive $0xFFFF  }
0x101: {  	_ =	shalt  }

</sc_bundles>
